<compile_context>
chip_gen: v7x
topology: tpu7x:2x2x1
jax: 0.10.2.dev20260603
libtpu: 0.0.44.dev20260713+nightly
codegen_flags: <defaults>
</compile_context>

<pallas_src>
import functools

import jax
import jax.numpy as jnp
from jax import lax
from jax.experimental import pallas as pl
from jax.experimental.pallas import tpu as pltpu
from jax.experimental.pallas import tpu_sc as plsc

N = 10000
E = 320000
D = 128
NC, NS = 2, 16
CHUNK = 128
BCH = 32
NBLK = 5
NCHUNK = NBLK * BCH
EPT = NCHUNK * CHUNK
PADE = NS * EPT
P = 10240
TP = 2 * P
DUMMY = N
ZROWS = P // NS

_mesh = plsc.VectorSubcoreMesh(core_axis_name="c", subcore_axis_name="s",
                               num_cores=NC, num_subcores=NS)



@functools.partial(
    pl.kernel,
    out_type=jax.ShapeDtypeStruct((TP, D), jnp.float32),
    mesh=_mesh,
    scratch_types=[
        pltpu.VMEM((BCH, CHUNK), jnp.int32),
        pltpu.VMEM((CHUNK, D), jnp.float32),
        pltpu.VMEM_SHARED((P, D), jnp.float32),
    ],
)
def _deg_kernel(ridx_hbm, ones_hbm, zeros_hbm, deg_out, ridx_v, ones_v, dacc):
    c = lax.axis_index("c")
    s = lax.axis_index("s")
    pltpu.sync_copy(zeros_hbm, dacc.at[pl.ds(s * ZROWS, ZROWS)])
    pltpu.sync_copy(ones_hbm, ones_v)
    plsc.subcore_barrier()

    def blk(b, carry):
        pltpu.sync_copy(ridx_hbm.at[c, s, b], ridx_v)

        def body(j, carry2):
            pltpu.sync_copy(ones_v, dacc.at[ridx_v.at[j]], add=True)
            return carry2

        return lax.fori_loop(0, BCH, body, carry)

    lax.fori_loop(0, NBLK, blk, 0)
    plsc.subcore_barrier()
    pltpu.sync_copy(dacc.at[pl.ds(s * ZROWS, ZROWS)],
                    deg_out.at[pl.ds(c * P + s * ZROWS, ZROWS)])



@functools.partial(
    pl.kernel,
    out_type=jax.ShapeDtypeStruct((TP, D), jnp.float32),
    mesh=_mesh,
    scratch_types=[
        pltpu.VMEM((BCH, CHUNK), jnp.int32),
        pltpu.VMEM((BCH, CHUNK), jnp.int32),
        pltpu.VMEM((CHUNK, D), jnp.float32),
        pltpu.VMEM_SHARED((P, D), jnp.float32),
    ],
)
def _prop_kernel(g_hbm, gidx_hbm, ridx_hbm, zeros_hbm, u_out,
                 gidx_v, ridx_v, rows0_v, acc):
    c = lax.axis_index("c")
    s = lax.axis_index("s")
    pltpu.sync_copy(zeros_hbm, acc.at[pl.ds(s * ZROWS, ZROWS)])
    plsc.subcore_barrier()

    def blk(b, carry):
        pltpu.sync_copy(gidx_hbm.at[c, s, b], gidx_v)
        pltpu.sync_copy(ridx_hbm.at[c, s, b], ridx_v)

        def body(j, carry2):
            pltpu.sync_copy(g_hbm.at[gidx_v.at[j]], rows0_v)
            pltpu.sync_copy(rows0_v, acc.at[ridx_v.at[j]], add=True)
            return carry2

        return lax.fori_loop(0, BCH, body, carry)

    lax.fori_loop(0, NBLK, blk, 0)
    plsc.subcore_barrier()
    pltpu.sync_copy(acc.at[pl.ds(s * ZROWS, ZROWS)],
                    u_out.at[pl.ds(c * P + s * ZROWS, ZROWS)])



_TC_BLK = 2048


def _tc_call(body, n_in):
    specs = [pl.BlockSpec((_TC_BLK, D), lambda i: (i, 0))]
    specs += [pl.BlockSpec((_TC_BLK, D), lambda i: (i, 0))] * (n_in - 1)
    return pl.pallas_call(
        body,
        grid=(TP // _TC_BLK,),
        in_specs=specs,
        out_specs=pl.BlockSpec((_TC_BLK, D), lambda i: (i, 0)),
        out_shape=jax.ShapeDtypeStruct((TP, D), jnp.float32),
    )


def _scale1_body(deg_ref, f_ref, o_ref):
    sc = 1.0 / (jnp.sqrt(deg_ref[:, 0:1]) + 1e-8)
    o_ref[:] = f_ref[:] * sc


def _scale2_body(deg_ref, u_ref, o_ref):
    sc = 1.0 / (jnp.sqrt(deg_ref[:, 0:1]) + 1e-8)
    o_ref[:] = u_ref[:] * (sc * sc)


def _combine_body(deg_ref, f_ref, u1_ref, u2_ref, o_ref):
    sc = 1.0 / (jnp.sqrt(deg_ref[:, 0:1]) + 1e-8)
    o_ref[:] = (f_ref[:] + (u1_ref[:] + u2_ref[:]) * sc) * (1.0 / 3.0)



def kernel(a_feature, b_feature, edge_index):
    src = edge_index[0]
    dst = edge_index[1]
    pad = PADE - E
    zpad = jnp.zeros((pad,), jnp.int32)
    dpad = jnp.full((pad,), DUMMY, jnp.int32)
    gidx = jnp.stack([jnp.concatenate([dst + P, zpad]),
                      jnp.concatenate([src, zpad])]).reshape(2, NS, NBLK, BCH, CHUNK)
    ridx = jnp.stack([jnp.concatenate([src, dpad]),
                      jnp.concatenate([dst, dpad])]).reshape(2, NS, NBLK, BCH, CHUNK)

    onesd = jnp.ones((CHUNK, D), jnp.float32)
    zerosd = jnp.zeros((ZROWS, D), jnp.float32)
    rowpad = jnp.zeros((P - N, D), jnp.float32)
    f0 = jnp.concatenate([a_feature, rowpad, b_feature, rowpad], axis=0)

    deg = _deg_kernel(ridx, onesd, zerosd)
    g1 = _tc_call(_scale1_body, 2)(deg, f0)
    u1 = _prop_kernel(g1, gidx, ridx, zerosd)
    g2 = _tc_call(_scale2_body, 2)(deg, u1)
    u2 = _prop_kernel(g2, gidx, ridx, zerosd)
    out = _tc_call(_combine_body, 4)(deg, f0, u1, u2)
    return (out[:N], out[P:P + N])

# --- scband reference (transcript-rebuilt; emitter-appended) ---
"""Pipeline reference for scband-light-gcn-12120397709904 (READ-ONLY COPY).

The authoritative reference and input builder live on the scoring server;
editing this copy changes nothing except your own understanding.
"""

import jax, jax.numpy as jnp
import numpy as np

N_ITEMS = 10000
N_EDGES = 320000
D_FEAT = 128
N_LAYERS = 2


def setup_inputs(seed: int = 0) -> dict:
    key = jax.random.key(seed)
    k1, k2, k3 = jax.random.split(key, 3)
    a_feature = jax.random.normal(k1, (N_ITEMS, D_FEAT), dtype=jnp.float32)
    b_feature = jax.random.normal(k2, (N_ITEMS, D_FEAT), dtype=jnp.float32)
    # item-item edge list, values in [0, N_ITEMS)
    edge_index = jax.random.randint(k3, (2, N_EDGES), 0, N_ITEMS, dtype=jnp.int32)
    return {"a_feature": a_feature, "b_feature": b_feature, "edge_index": edge_index}


def _build_norm_graph(edge_index, n):
    # Build the item-level block graph [[0, G], [G^T, 0]] of size (2n, 2n)
    src = edge_index[0]
    dst = edge_index[1]
    rows = jnp.concatenate([src, dst + n])
    cols = jnp.concatenate([dst + n, src])
    vals = jnp.ones(rows.shape[0], dtype=jnp.float32)
    two_n = 2 * n
    # csr_matrix construction sums duplicate entries; segment_sum-based degree
    # and spmm below reproduce that behavior exactly.
    rowsum = jax.ops.segment_sum(vals, rows, num_segments=two_n)
    colsum = jax.ops.segment_sum(vals, cols, num_segments=two_n)
    # laplace_transform: D_r^{-1/2} A D_c^{-1/2} with 1/(sqrt(deg)+1e-8)
    norm_vals = vals / (jnp.sqrt(rowsum)[rows] + 1e-8) / (jnp.sqrt(colsum)[cols] + 1e-8)
    return rows, cols, norm_vals


def reference(a_feature, b_feature, edge_index):
    n = a_feature.shape[0]
    rows, cols, norm_vals = _build_norm_graph(edge_index, n)
    two_n = 2 * n
    features = jnp.concatenate([a_feature, b_feature], axis=0)
    all_features = [features]
    f = features
    for _ in range(N_LAYERS):
        gathered = f[cols] * norm_vals[:, None]
        f = jax.ops.segment_sum(gathered, rows, num_segments=two_n)
        all_features.append(f)
    all_features = jnp.stack(all_features, axis=1)
    all_features = jnp.mean(all_features, axis=1)
    a_out = all_features[:n]
    b_out = all_features[n:]
    return (a_out, b_out)

if __name__ == "__main__":
    import jax
    _d = setup_inputs()
    print(jax.jit(kernel)(*tuple(_d.values())))

</pallas_src>

<mosaic_0001>
#map = affine_map<(d0, d1) -> (0, 0)>
#map1 = affine_map<(d0, d1) -> (0, 0, 0, 0, 0)>
module attributes {stable_mosaic.version = 14 : i64} {
  func.func @_prop_kernel(%arg0: i32, %arg1: i32, %arg2: memref<20480x128xf32, #tpu.memory_space<hbm>>, %arg3: memref<2x16x5x32x128xi32, #tpu.memory_space<hbm>>, %arg4: memref<2x16x5x32x128xi32, #tpu.memory_space<hbm>>, %arg5: memref<640x128xf32, #tpu.memory_space<hbm>>, %arg6: memref<20480x128xf32, #tpu.memory_space<hbm>>, %arg7: memref<32x128xi32, #tpu.memory_space<vmem>>, %arg8: memref<32x128xi32, #tpu.memory_space<vmem>>, %arg9: memref<128x128xf32, #tpu.memory_space<vmem>>, %arg10: memref<10240x128xf32, #tpu.memory_space<vmem_shared>>) attributes {dimension_semantics = [#tpu.dimension_semantics<core_parallel>, #tpu.dimension_semantics<subcore_parallel>], iteration_bounds = array<i64: 2, 16>, scalar_prefetch = 0 : i64, scratch_operands = 4 : i64, tpu.core_type = #tpu.core_type<sc_vector_subcore>, window_params = [{transform_indices = #map}, {transform_indices = #map1}, {transform_indices = #map1}, {transform_indices = #map}, {transform_indices = #map}]} {
    %mul3A = arith.constant 640 : i32
    %mul3A_0 = arith.muli %arg1, %mul3A : i32
    "tpu.region"() ({
      %run_scoped3A = tpu.sem_alloc : memref<!tpu.dma_semaphore, #tpu.memory_space<semaphore_mem>>
      %dma_start3A = arith.constant 0 : i32
      %dma_start3A_13 = tpu.memref_slice %arg10[%mul3A_0, %dma_start3A] : memref<10240x128xf32, #tpu.memory_space<vmem_shared>> -> memref<640x128xf32, #tpu.memory_space<vmem_shared>>
      tpu.enqueue_dma source(%arg5 : memref<640x128xf32, #tpu.memory_space<hbm>>) target(%dma_start3A_13 : memref<640x128xf32, #tpu.memory_space<vmem_shared>>) target_semaphore(%run_scoped3A : memref<!tpu.dma_semaphore, #tpu.memory_space<semaphore_mem>>)
      %dma_wait3A = arith.constant 0 : i32
      %dma_wait3A_14 = tpu.memref_slice %arg10[%mul3A_0, %dma_wait3A] : memref<10240x128xf32, #tpu.memory_space<vmem_shared>> -> memref<640x128xf32, #tpu.memory_space<vmem_shared>>
      tpu.wait_dma2 semaphore(%run_scoped3A : memref<!tpu.dma_semaphore, #tpu.memory_space<semaphore_mem>>) src(%arg5 : memref<640x128xf32, #tpu.memory_space<hbm>>) dst(%dma_wait3A_14 : memref<640x128xf32, #tpu.memory_space<vmem_shared>>)
      tpu.yield
    }) : () -> ()
    %barrier3A = arith.constant 0 : index
    tpu.barrier barrier_id(%barrier3A)
    %scan3A = arith.constant 0 : i32
    %scan3A_1 = arith.constant 0 : i32
    %scan3A_2 = arith.constant 5 : i32
    %scan3A_3 = arith.addi %scan3A_1, %scan3A_2 : i32
    %scan3A_4 = arith.constant 1 : i32
    scf.for %scan3A_13 = %scan3A_1 to %scan3A_3 step %scan3A_4  : i32 {
      "tpu.region"() ({
        %run_scoped3A = tpu.sem_alloc : memref<!tpu.dma_semaphore, #tpu.memory_space<semaphore_mem>>
        %dma_start3A = arith.constant 0 : i32
        %dma_start3A_19 = arith.constant 0 : i32
        %dma_start3A_20 = tpu.memref_slice %arg3[%arg0, %arg1, %scan3A_13, %dma_start3A, %dma_start3A_19] : memref<2x16x5x32x128xi32, #tpu.memory_space<hbm>> -> memref<1x1x1x32x128xi32, #tpu.memory_space<hbm>>
        %dma_start3A_21 = tpu.memref_squeeze %dma_start3A_20 : memref<1x1x1x32x128xi32, #tpu.memory_space<hbm>> -> memref<32x128xi32, #tpu.memory_space<hbm>>
        %dma_start3A_22 = arith.constant 0 : i32
        %dma_start3A_23 = arith.constant 0 : i32
        %dma_start3A_24 = tpu.memref_slice %arg3[%arg0, %arg1, %scan3A_13, %dma_start3A_22, %dma_start3A_23] : memref<2x16x5x32x128xi32, #tpu.memory_space<hbm>> -> memref<1x1x1x32x128xi32, #tpu.memory_space<hbm>>
        %dma_start3A_25 = tpu.memref_squeeze %dma_start3A_24 : memref<1x1x1x32x128xi32, #tpu.memory_space<hbm>> -> memref<32x128xi32, #tpu.memory_space<hbm>>
        tpu.enqueue_dma source(%dma_start3A_25 : memref<32x128xi32, #tpu.memory_space<hbm>>) target(%arg7 : memref<32x128xi32, #tpu.memory_space<vmem>>) target_semaphore(%run_scoped3A : memref<!tpu.dma_semaphore, #tpu.memory_space<semaphore_mem>>)
        %dma_wait3A = arith.constant 0 : i32
        %dma_wait3A_26 = arith.constant 0 : i32
        %dma_wait3A_27 = tpu.memref_slice %arg3[%arg0, %arg1, %scan3A_13, %dma_wait3A, %dma_wait3A_26] : memref<2x16x5x32x128xi32, #tpu.memory_space<hbm>> -> memref<1x1x1x32x128xi32, #tpu.memory_space<hbm>>
        %dma_wait3A_28 = tpu.memref_squeeze %dma_wait3A_27 : memref<1x1x1x32x128xi32, #tpu.memory_space<hbm>> -> memref<32x128xi32, #tpu.memory_space<hbm>>
        %dma_wait3A_29 = arith.constant 0 : i32
        %dma_wait3A_30 = arith.constant 0 : i32
        %dma_wait3A_31 = tpu.memref_slice %arg3[%arg0, %arg1, %scan3A_13, %dma_wait3A_29, %dma_wait3A_30] : memref<2x16x5x32x128xi32, #tpu.memory_space<hbm>> -> memref<1x1x1x32x128xi32, #tpu.memory_space<hbm>>
        %dma_wait3A_32 = tpu.memref_squeeze %dma_wait3A_31 : memref<1x1x1x32x128xi32, #tpu.memory_space<hbm>> -> memref<32x128xi32, #tpu.memory_space<hbm>>
        tpu.wait_dma2 semaphore(%run_scoped3A : memref<!tpu.dma_semaphore, #tpu.memory_space<semaphore_mem>>) src(%dma_wait3A_32 : memref<32x128xi32, #tpu.memory_space<hbm>>) dst(%arg7 : memref<32x128xi32, #tpu.memory_space<vmem>>)
        tpu.yield
      }) : () -> ()
      "tpu.region"() ({
        %run_scoped3A = tpu.sem_alloc : memref<!tpu.dma_semaphore, #tpu.memory_space<semaphore_mem>>
        %dma_start3A = arith.constant 0 : i32
        %dma_start3A_19 = arith.constant 0 : i32
        %dma_start3A_20 = tpu.memref_slice %arg4[%arg0, %arg1, %scan3A_13, %dma_start3A, %dma_start3A_19] : memref<2x16x5x32x128xi32, #tpu.memory_space<hbm>> -> memref<1x1x1x32x128xi32, #tpu.memory_space<hbm>>
        %dma_start3A_21 = tpu.memref_squeeze %dma_start3A_20 : memref<1x1x1x32x128xi32, #tpu.memory_space<hbm>> -> memref<32x128xi32, #tpu.memory_space<hbm>>
        %dma_start3A_22 = arith.constant 0 : i32
        %dma_start3A_23 = arith.constant 0 : i32
        %dma_start3A_24 = tpu.memref_slice %arg4[%arg0, %arg1, %scan3A_13, %dma_start3A_22, %dma_start3A_23] : memref<2x16x5x32x128xi32, #tpu.memory_space<hbm>> -> memref<1x1x1x32x128xi32, #tpu.memory_space<hbm>>
        %dma_start3A_25 = tpu.memref_squeeze %dma_start3A_24 : memref<1x1x1x32x128xi32, #tpu.memory_space<hbm>> -> memref<32x128xi32, #tpu.memory_space<hbm>>
        tpu.enqueue_dma source(%dma_start3A_25 : memref<32x128xi32, #tpu.memory_space<hbm>>) target(%arg8 : memref<32x128xi32, #tpu.memory_space<vmem>>) target_semaphore(%run_scoped3A : memref<!tpu.dma_semaphore, #tpu.memory_space<semaphore_mem>>)
        %dma_wait3A = arith.constant 0 : i32
        %dma_wait3A_26 = arith.constant 0 : i32
        %dma_wait3A_27 = tpu.memref_slice %arg4[%arg0, %arg1, %scan3A_13, %dma_wait3A, %dma_wait3A_26] : memref<2x16x5x32x128xi32, #tpu.memory_space<hbm>> -> memref<1x1x1x32x128xi32, #tpu.memory_space<hbm>>
        %dma_wait3A_28 = tpu.memref_squeeze %dma_wait3A_27 : memref<1x1x1x32x128xi32, #tpu.memory_space<hbm>> -> memref<32x128xi32, #tpu.memory_space<hbm>>
        %dma_wait3A_29 = arith.constant 0 : i32
        %dma_wait3A_30 = arith.constant 0 : i32
        %dma_wait3A_31 = tpu.memref_slice %arg4[%arg0, %arg1, %scan3A_13, %dma_wait3A_29, %dma_wait3A_30] : memref<2x16x5x32x128xi32, #tpu.memory_space<hbm>> -> memref<1x1x1x32x128xi32, #tpu.memory_space<hbm>>
        %dma_wait3A_32 = tpu.memref_squeeze %dma_wait3A_31 : memref<1x1x1x32x128xi32, #tpu.memory_space<hbm>> -> memref<32x128xi32, #tpu.memory_space<hbm>>
        tpu.wait_dma2 semaphore(%run_scoped3A : memref<!tpu.dma_semaphore, #tpu.memory_space<semaphore_mem>>) src(%dma_wait3A_32 : memref<32x128xi32, #tpu.memory_space<hbm>>) dst(%arg8 : memref<32x128xi32, #tpu.memory_space<vmem>>)
        tpu.yield
      }) : () -> ()
      %scan3A_14 = arith.constant 0 : i32
      %scan3A_15 = arith.constant 32 : i32
      %scan3A_16 = arith.addi %scan3A_14, %scan3A_15 : i32
      %scan3A_17 = arith.constant 1 : i32
      scf.for %scan3A_19 = %scan3A_14 to %scan3A_16 step %scan3A_17  : i32 {
        "tpu.region"() ({
          %run_scoped3A = tpu.sem_alloc : memref<!tpu.dma_semaphore, #tpu.memory_space<semaphore_mem>>
          %dma_start3A = arith.constant 0 : i32
          %dma_start3A_20 = tpu.memref_slice %arg7[%scan3A_19, %dma_start3A] : memref<32x128xi32, #tpu.memory_space<vmem>> -> memref<1x128xi32, #tpu.memory_space<vmem>>
          %dma_start3A_21 = tpu.memref_squeeze %dma_start3A_20 : memref<1x128xi32, #tpu.memory_space<vmem>> -> memref<128xi32, #tpu.memory_space<vmem>>
          %dma_start3A_22 = arith.constant 0 : i32
          %dma_start3A_23 = arith.constant 0 : i32
          %dma_start3A_24 = tpu.memref_slice %arg2[%dma_start3A_22, %dma_start3A_23] : memref<20480x128xf32, #tpu.memory_space<hbm>> -> memref<20480x128xf32, #tpu.memory_space<hbm>>
          tpu.enqueue_indirect_dma source(%dma_start3A_24 : memref<20480x128xf32, #tpu.memory_space<hbm>>) target(%arg9 : memref<128x128xf32, #tpu.memory_space<vmem>>) offsets(%dma_start3A_21 : memref<128xi32, #tpu.memory_space<vmem>>) semaphore(%run_scoped3A : memref<!tpu.dma_semaphore, #tpu.memory_space<semaphore_mem>>)
          %dma_wait3A = arith.constant 0 : i32
          %dma_wait3A_25 = tpu.memref_slice %arg7[%scan3A_19, %dma_wait3A] : memref<32x128xi32, #tpu.memory_space<vmem>> -> memref<1x128xi32, #tpu.memory_space<vmem>>
          %dma_wait3A_26 = tpu.memref_squeeze %dma_wait3A_25 : memref<1x128xi32, #tpu.memory_space<vmem>> -> memref<128xi32, #tpu.memory_space<vmem>>
          %dma_wait3A_27 = arith.constant 0 : i32
          %dma_wait3A_28 = arith.constant 0 : i32
          %dma_wait3A_29 = tpu.memref_slice %arg2[%dma_wait3A_27, %dma_wait3A_28] : memref<20480x128xf32, #tpu.memory_space<hbm>> -> memref<20480x128xf32, #tpu.memory_space<hbm>>
          tpu.wait_indirect_dma semaphore(%run_scoped3A : memref<!tpu.dma_semaphore, #tpu.memory_space<semaphore_mem>>) src(%dma_wait3A_29 : memref<20480x128xf32, #tpu.memory_space<hbm>>) dst(%arg9 : memref<128x128xf32, #tpu.memory_space<vmem>>)
          tpu.yield
        }) : () -> ()
        "tpu.region"() ({
          %run_scoped3A = tpu.sem_alloc : memref<!tpu.dma_semaphore, #tpu.memory_space<semaphore_mem>>
          %dma_start3A = arith.constant 0 : i32
          %dma_start3A_20 = tpu.memref_slice %arg8[%scan3A_19, %dma_start3A] : memref<32x128xi32, #tpu.memory_space<vmem>> -> memref<1x128xi32, #tpu.memory_space<vmem>>
          %dma_start3A_21 = tpu.memref_squeeze %dma_start3A_20 : memref<1x128xi32, #tpu.memory_space<vmem>> -> memref<128xi32, #tpu.memory_space<vmem>>
          %dma_start3A_22 = arith.constant 0 : i32
          %dma_start3A_23 = arith.constant 0 : i32
          %dma_start3A_24 = tpu.memref_slice %arg10[%dma_start3A_22, %dma_start3A_23] : memref<10240x128xf32, #tpu.memory_space<vmem_shared>> -> memref<10240x128xf32, #tpu.memory_space<vmem_shared>>
          tpu.enqueue_indirect_dma source(%arg9 : memref<128x128xf32, #tpu.memory_space<vmem>>) target(%dma_start3A_24 : memref<10240x128xf32, #tpu.memory_space<vmem_shared>>) offsets(%dma_start3A_21 : memref<128xi32, #tpu.memory_space<vmem>>) semaphore(%run_scoped3A : memref<!tpu.dma_semaphore, #tpu.memory_space<semaphore_mem>>) {add = true}
          %dma_wait3A = arith.constant 0 : i32
          %dma_wait3A_25 = tpu.memref_slice %arg8[%scan3A_19, %dma_wait3A] : memref<32x128xi32, #tpu.memory_space<vmem>> -> memref<1x128xi32, #tpu.memory_space<vmem>>
          %dma_wait3A_26 = tpu.memref_squeeze %dma_wait3A_25 : memref<1x128xi32, #tpu.memory_space<vmem>> -> memref<128xi32, #tpu.memory_space<vmem>>
          %dma_wait3A_27 = arith.constant 0 : i32
          %dma_wait3A_28 = arith.constant 0 : i32
          %dma_wait3A_29 = tpu.memref_slice %arg10[%dma_wait3A_27, %dma_wait3A_28] : memref<10240x128xf32, #tpu.memory_space<vmem_shared>> -> memref<10240x128xf32, #tpu.memory_space<vmem_shared>>
          tpu.wait_indirect_dma semaphore(%run_scoped3A : memref<!tpu.dma_semaphore, #tpu.memory_space<semaphore_mem>>) src(%arg9 : memref<128x128xf32, #tpu.memory_space<vmem>>) dst(%dma_wait3A_29 : memref<10240x128xf32, #tpu.memory_space<vmem_shared>>)
          tpu.yield
        }) : () -> ()
      }
      %scan3A_18 = arith.constant 32 : i32
    }
    %scan3A_5 = arith.constant 5 : i32
    %barrier3A_6 = arith.constant 0 : index
    tpu.barrier barrier_id(%barrier3A_6)
    %mul3A_7 = arith.constant 640 : i32
    %mul3A_8 = arith.muli %arg1, %mul3A_7 : i32
    %mul3A_9 = arith.constant 10240 : i32
    %mul3A_10 = arith.muli %arg0, %mul3A_9 : i32
    %mul3A_11 = arith.constant 640 : i32
    %mul3A_12 = arith.muli %arg1, %mul3A_11 : i32
    %add3A = arith.addi %mul3A_10, %mul3A_12 : i32
    "tpu.region"() ({
      %run_scoped3A = tpu.sem_alloc : memref<!tpu.dma_semaphore, #tpu.memory_space<semaphore_mem>>
      %dma_start3A = arith.constant 0 : i32
      %dma_start3A_13 = tpu.memref_slice %arg6[%add3A, %dma_start3A] : memref<20480x128xf32, #tpu.memory_space<hbm>> -> memref<640x128xf32, #tpu.memory_space<hbm>>
      %dma_start3A_14 = arith.constant 0 : i32
      %dma_start3A_15 = tpu.memref_slice %arg10[%mul3A_8, %dma_start3A_14] : memref<10240x128xf32, #tpu.memory_space<vmem_shared>> -> memref<640x128xf32, #tpu.memory_space<vmem_shared>>
      tpu.enqueue_dma source(%dma_start3A_15 : memref<640x128xf32, #tpu.memory_space<vmem_shared>>) target(%dma_start3A_13 : memref<640x128xf32, #tpu.memory_space<hbm>>) target_semaphore(%run_scoped3A : memref<!tpu.dma_semaphore, #tpu.memory_space<semaphore_mem>>)
      %dma_wait3A = arith.constant 0 : i32
      %dma_wait3A_16 = tpu.memref_slice %arg6[%add3A, %dma_wait3A] : memref<20480x128xf32, #tpu.memory_space<hbm>> -> memref<640x128xf32, #tpu.memory_space<hbm>>
      %dma_wait3A_17 = arith.constant 0 : i32
      %dma_wait3A_18 = tpu.memref_slice %arg10[%mul3A_8, %dma_wait3A_17] : memref<10240x128xf32, #tpu.memory_space<vmem_shared>> -> memref<640x128xf32, #tpu.memory_space<vmem_shared>>
      tpu.wait_dma2 semaphore(%run_scoped3A : memref<!tpu.dma_semaphore, #tpu.memory_space<semaphore_mem>>) src(%dma_wait3A_18 : memref<640x128xf32, #tpu.memory_space<vmem_shared>>) dst(%dma_wait3A_16 : memref<640x128xf32, #tpu.memory_space<hbm>>)
      tpu.yield
    }) : () -> ()
    return
  }
}

#map = affine_map<(d0, d1) -> (0, 0)>
#map1 = affine_map<(d0, d1) -> (0, 0, 0, 0, 0)>
module attributes {stable_mosaic.version = 14 : i64} {
  func.func @_prop_kernel(%arg0: i32, %arg1: i32, %arg2: memref<20480x128xf32, #tpu.memory_space<hbm>>, %arg3: memref<2x16x5x32x128xi32, #tpu.memory_space<hbm>>, %arg4: memref<2x16x5x32x128xi32, #tpu.memory_space<hbm>>, %arg5: memref<640x128xf32, #tpu.memory_space<hbm>>, %arg6: memref<20480x128xf32, #tpu.memory_space<hbm>>, %arg7: memref<32x128xi32, #tpu.memory_space<vmem>>, %arg8: memref<32x128xi32, #tpu.memory_space<vmem>>, %arg9: memref<128x128xf32, #tpu.memory_space<vmem>>, %arg10: memref<10240x128xf32, #tpu.memory_space<vmem_shared>>) attributes {dimension_semantics = [#tpu.dimension_semantics<core_parallel>, #tpu.dimension_semantics<subcore_parallel>], iteration_bounds = array<i64: 2, 16>, scalar_prefetch = 0 : i64, scratch_operands = 4 : i64, tpu.core_type = #tpu.core_type<sc_vector_subcore>, window_params = [{transform_indices = #map}, {transform_indices = #map1}, {transform_indices = #map1}, {transform_indices = #map}, {transform_indices = #map}]} {
    %mul3A = arith.constant 640 : i32
    %mul3A_0 = arith.muli %arg1, %mul3A : i32
    "tpu.region"() ({
      %run_scoped3A = tpu.sem_alloc : memref<!tpu.dma_semaphore, #tpu.memory_space<semaphore_mem>>
      %dma_start3A = arith.constant 0 : i32
      %dma_start3A_13 = tpu.memref_slice %arg10[%mul3A_0, %dma_start3A] : memref<10240x128xf32, #tpu.memory_space<vmem_shared>> -> memref<640x128xf32, #tpu.memory_space<vmem_shared>>
      tpu.enqueue_dma source(%arg5 : memref<640x128xf32, #tpu.memory_space<hbm>>) target(%dma_start3A_13 : memref<640x128xf32, #tpu.memory_space<vmem_shared>>) target_semaphore(%run_scoped3A : memref<!tpu.dma_semaphore, #tpu.memory_space<semaphore_mem>>)
      %dma_wait3A = arith.constant 0 : i32
      %dma_wait3A_14 = tpu.memref_slice %arg10[%mul3A_0, %dma_wait3A] : memref<10240x128xf32, #tpu.memory_space<vmem_shared>> -> memref<640x128xf32, #tpu.memory_space<vmem_shared>>
      tpu.wait_dma2 semaphore(%run_scoped3A : memref<!tpu.dma_semaphore, #tpu.memory_space<semaphore_mem>>) src(%arg5 : memref<640x128xf32, #tpu.memory_space<hbm>>) dst(%dma_wait3A_14 : memref<640x128xf32, #tpu.memory_space<vmem_shared>>)
      tpu.yield
    }) : () -> ()
    %barrier3A = arith.constant 0 : index
    tpu.barrier barrier_id(%barrier3A)
    %scan3A = arith.constant 0 : i32
    %scan3A_1 = arith.constant 0 : i32
    %scan3A_2 = arith.constant 5 : i32
    %scan3A_3 = arith.addi %scan3A_1, %scan3A_2 : i32
    %scan3A_4 = arith.constant 1 : i32
    scf.for %scan3A_13 = %scan3A_1 to %scan3A_3 step %scan3A_4  : i32 {
      "tpu.region"() ({
        %run_scoped3A = tpu.sem_alloc : memref<!tpu.dma_semaphore, #tpu.memory_space<semaphore_mem>>
        %dma_start3A = arith.constant 0 : i32
        %dma_start3A_19 = arith.constant 0 : i32
        %dma_start3A_20 = tpu.memref_slice %arg3[%arg0, %arg1, %scan3A_13, %dma_start3A, %dma_start3A_19] : memref<2x16x5x32x128xi32, #tpu.memory_space<hbm>> -> memref<1x1x1x32x128xi32, #tpu.memory_space<hbm>>
        %dma_start3A_21 = tpu.memref_squeeze %dma_start3A_20 : memref<1x1x1x32x128xi32, #tpu.memory_space<hbm>> -> memref<32x128xi32, #tpu.memory_space<hbm>>
        %dma_start3A_22 = arith.constant 0 : i32
        %dma_start3A_23 = arith.constant 0 : i32
        %dma_start3A_24 = tpu.memref_slice %arg3[%arg0, %arg1, %scan3A_13, %dma_start3A_22, %dma_start3A_23] : memref<2x16x5x32x128xi32, #tpu.memory_space<hbm>> -> memref<1x1x1x32x128xi32, #tpu.memory_space<hbm>>
        %dma_start3A_25 = tpu.memref_squeeze %dma_start3A_24 : memref<1x1x1x32x128xi32, #tpu.memory_space<hbm>> -> memref<32x128xi32, #tpu.memory_space<hbm>>
        tpu.enqueue_dma source(%dma_start3A_25 : memref<32x128xi32, #tpu.memory_space<hbm>>) target(%arg7 : memref<32x128xi32, #tpu.memory_space<vmem>>) target_semaphore(%run_scoped3A : memref<!tpu.dma_semaphore, #tpu.memory_space<semaphore_mem>>)
        %dma_wait3A = arith.constant 0 : i32
        %dma_wait3A_26 = arith.constant 0 : i32
        %dma_wait3A_27 = tpu.memref_slice %arg3[%arg0, %arg1, %scan3A_13, %dma_wait3A, %dma_wait3A_26] : memref<2x16x5x32x128xi32, #tpu.memory_space<hbm>> -> memref<1x1x1x32x128xi32, #tpu.memory_space<hbm>>
        %dma_wait3A_28 = tpu.memref_squeeze %dma_wait3A_27 : memref<1x1x1x32x128xi32, #tpu.memory_space<hbm>> -> memref<32x128xi32, #tpu.memory_space<hbm>>
        %dma_wait3A_29 = arith.constant 0 : i32
        %dma_wait3A_30 = arith.constant 0 : i32
        %dma_wait3A_31 = tpu.memref_slice %arg3[%arg0, %arg1, %scan3A_13, %dma_wait3A_29, %dma_wait3A_30] : memref<2x16x5x32x128xi32, #tpu.memory_space<hbm>> -> memref<1x1x1x32x128xi32, #tpu.memory_space<hbm>>
        %dma_wait3A_32 = tpu.memref_squeeze %dma_wait3A_31 : memref<1x1x1x32x128xi32, #tpu.memory_space<hbm>> -> memref<32x128xi32, #tpu.memory_space<hbm>>
        tpu.wait_dma2 semaphore(%run_scoped3A : memref<!tpu.dma_semaphore, #tpu.memory_space<semaphore_mem>>) src(%dma_wait3A_32 : memref<32x128xi32, #tpu.memory_space<hbm>>) dst(%arg7 : memref<32x128xi32, #tpu.memory_space<vmem>>)
        tpu.yield
      }) : () -> ()
      "tpu.region"() ({
        %run_scoped3A = tpu.sem_alloc : memref<!tpu.dma_semaphore, #tpu.memory_space<semaphore_mem>>
        %dma_start3A = arith.constant 0 : i32
        %dma_start3A_19 = arith.constant 0 : i32
        %dma_start3A_20 = tpu.memref_slice %arg4[%arg0, %arg1, %scan3A_13, %dma_start3A, %dma_start3A_19] : memref<2x16x5x32x128xi32, #tpu.memory_space<hbm>> -> memref<1x1x1x32x128xi32, #tpu.memory_space<hbm>>
        %dma_start3A_21 = tpu.memref_squeeze %dma_start3A_20 : memref<1x1x1x32x128xi32, #tpu.memory_space<hbm>> -> memref<32x128xi32, #tpu.memory_space<hbm>>
        %dma_start3A_22 = arith.constant 0 : i32
        %dma_start3A_23 = arith.constant 0 : i32
        %dma_start3A_24 = tpu.memref_slice %arg4[%arg0, %arg1, %scan3A_13, %dma_start3A_22, %dma_start3A_23] : memref<2x16x5x32x128xi32, #tpu.memory_space<hbm>> -> memref<1x1x1x32x128xi32, #tpu.memory_space<hbm>>
        %dma_start3A_25 = tpu.memref_squeeze %dma_start3A_24 : memref<1x1x1x32x128xi32, #tpu.memory_space<hbm>> -> memref<32x128xi32, #tpu.memory_space<hbm>>
        tpu.enqueue_dma source(%dma_start3A_25 : memref<32x128xi32, #tpu.memory_space<hbm>>) target(%arg8 : memref<32x128xi32, #tpu.memory_space<vmem>>) target_semaphore(%run_scoped3A : memref<!tpu.dma_semaphore, #tpu.memory_space<semaphore_mem>>)
        %dma_wait3A = arith.constant 0 : i32
        %dma_wait3A_26 = arith.constant 0 : i32
        %dma_wait3A_27 = tpu.memref_slice %arg4[%arg0, %arg1, %scan3A_13, %dma_wait3A, %dma_wait3A_26] : memref<2x16x5x32x128xi32, #tpu.memory_space<hbm>> -> memref<1x1x1x32x128xi32, #tpu.memory_space<hbm>>
        %dma_wait3A_28 = tpu.memref_squeeze %dma_wait3A_27 : memref<1x1x1x32x128xi32, #tpu.memory_space<hbm>> -> memref<32x128xi32, #tpu.memory_space<hbm>>
        %dma_wait3A_29 = arith.constant 0 : i32
        %dma_wait3A_30 = arith.constant 0 : i32
        %dma_wait3A_31 = tpu.memref_slice %arg4[%arg0, %arg1, %scan3A_13, %dma_wait3A_29, %dma_wait3A_30] : memref<2x16x5x32x128xi32, #tpu.memory_space<hbm>> -> memref<1x1x1x32x128xi32, #tpu.memory_space<hbm>>
        %dma_wait3A_32 = tpu.memref_squeeze %dma_wait3A_31 : memref<1x1x1x32x128xi32, #tpu.memory_space<hbm>> -> memref<32x128xi32, #tpu.memory_space<hbm>>
        tpu.wait_dma2 semaphore(%run_scoped3A : memref<!tpu.dma_semaphore, #tpu.memory_space<semaphore_mem>>) src(%dma_wait3A_32 : memref<32x128xi32, #tpu.memory_space<hbm>>) dst(%arg8 : memref<32x128xi32, #tpu.memory_space<vmem>>)
        tpu.yield
      }) : () -> ()
      %scan3A_14 = arith.constant 0 : i32
      %scan3A_15 = arith.constant 32 : i32
      %scan3A_16 = arith.addi %scan3A_14, %scan3A_15 : i32
      %scan3A_17 = arith.constant 1 : i32
      scf.for %scan3A_19 = %scan3A_14 to %scan3A_16 step %scan3A_17  : i32 {
        "tpu.region"() ({
          %run_scoped3A = tpu.sem_alloc : memref<!tpu.dma_semaphore, #tpu.memory_space<semaphore_mem>>
          %dma_start3A = arith.constant 0 : i32
          %dma_start3A_20 = tpu.memref_slice %arg7[%scan3A_19, %dma_start3A] : memref<32x128xi32, #tpu.memory_space<vmem>> -> memref<1x128xi32, #tpu.memory_space<vmem>>
          %dma_start3A_21 = tpu.memref_squeeze %dma_start3A_20 : memref<1x128xi32, #tpu.memory_space<vmem>> -> memref<128xi32, #tpu.memory_space<vmem>>
          %dma_start3A_22 = arith.constant 0 : i32
          %dma_start3A_23 = arith.constant 0 : i32
          %dma_start3A_24 = tpu.memref_slice %arg2[%dma_start3A_22, %dma_start3A_23] : memref<20480x128xf32, #tpu.memory_space<hbm>> -> memref<20480x128xf32, #tpu.memory_space<hbm>>
          tpu.enqueue_indirect_dma source(%dma_start3A_24 : memref<20480x128xf32, #tpu.memory_space<hbm>>) target(%arg9 : memref<128x128xf32, #tpu.memory_space<vmem>>) offsets(%dma_start3A_21 : memref<128xi32, #tpu.memory_space<vmem>>) semaphore(%run_scoped3A : memref<!tpu.dma_semaphore, #tpu.memory_space<semaphore_mem>>)
          %dma_wait3A = arith.constant 0 : i32
          %dma_wait3A_25 = tpu.memref_slice %arg7[%scan3A_19, %dma_wait3A] : memref<32x128xi32, #tpu.memory_space<vmem>> -> memref<1x128xi32, #tpu.memory_space<vmem>>
          %dma_wait3A_26 = tpu.memref_squeeze %dma_wait3A_25 : memref<1x128xi32, #tpu.memory_space<vmem>> -> memref<128xi32, #tpu.memory_space<vmem>>
          %dma_wait3A_27 = arith.constant 0 : i32
          %dma_wait3A_28 = arith.constant 0 : i32
          %dma_wait3A_29 = tpu.memref_slice %arg2[%dma_wait3A_27, %dma_wait3A_28] : memref<20480x128xf32, #tpu.memory_space<hbm>> -> memref<20480x128xf32, #tpu.memory_space<hbm>>
          tpu.wait_indirect_dma semaphore(%run_scoped3A : memref<!tpu.dma_semaphore, #tpu.memory_space<semaphore_mem>>) src(%dma_wait3A_29 : memref<20480x128xf32, #tpu.memory_space<hbm>>) dst(%arg9 : memref<128x128xf32, #tpu.memory_space<vmem>>)
          tpu.yield
        }) : () -> ()
        "tpu.region"() ({
          %run_scoped3A = tpu.sem_alloc : memref<!tpu.dma_semaphore, #tpu.memory_space<semaphore_mem>>
          %dma_start3A = arith.constant 0 : i32
          %dma_start3A_20 = tpu.memref_slice %arg8[%scan3A_19, %dma_start3A] : memref<32x128xi32, #tpu.memory_space<vmem>> -> memref<1x128xi32, #tpu.memory_space<vmem>>
          %dma_start3A_21 = tpu.memref_squeeze %dma_start3A_20 : memref<1x128xi32, #tpu.memory_space<vmem>> -> memref<128xi32, #tpu.memory_space<vmem>>
          %dma_start3A_22 = arith.constant 0 : i32
          %dma_start3A_23 = arith.constant 0 : i32
          %dma_start3A_24 = tpu.memref_slice %arg10[%dma_start3A_22, %dma_start3A_23] : memref<10240x128xf32, #tpu.memory_space<vmem_shared>> -> memref<10240x128xf32, #tpu.memory_space<vmem_shared>>
          tpu.enqueue_indirect_dma source(%arg9 : memref<128x128xf32, #tpu.memory_space<vmem>>) target(%dma_start3A_24 : memref<10240x128xf32, #tpu.memory_space<vmem_shared>>) offsets(%dma_start3A_21 : memref<128xi32, #tpu.memory_space<vmem>>) semaphore(%run_scoped3A : memref<!tpu.dma_semaphore, #tpu.memory_space<semaphore_mem>>) {add = true}
          %dma_wait3A = arith.constant 0 : i32
          %dma_wait3A_25 = tpu.memref_slice %arg8[%scan3A_19, %dma_wait3A] : memref<32x128xi32, #tpu.memory_space<vmem>> -> memref<1x128xi32, #tpu.memory_space<vmem>>
          %dma_wait3A_26 = tpu.memref_squeeze %dma_wait3A_25 : memref<1x128xi32, #tpu.memory_space<vmem>> -> memref<128xi32, #tpu.memory_space<vmem>>
          %dma_wait3A_27 = arith.constant 0 : i32
          %dma_wait3A_28 = arith.constant 0 : i32
          %dma_wait3A_29 = tpu.memref_slice %arg10[%dma_wait3A_27, %dma_wait3A_28] : memref<10240x128xf32, #tpu.memory_space<vmem_shared>> -> memref<10240x128xf32, #tpu.memory_space<vmem_shared>>
          tpu.wait_indirect_dma semaphore(%run_scoped3A : memref<!tpu.dma_semaphore, #tpu.memory_space<semaphore_mem>>) src(%arg9 : memref<128x128xf32, #tpu.memory_space<vmem>>) dst(%dma_wait3A_29 : memref<10240x128xf32, #tpu.memory_space<vmem_shared>>)
          tpu.yield
        }) : () -> ()
      }
      %scan3A_18 = arith.constant 32 : i32
    }
    %scan3A_5 = arith.constant 5 : i32
    %barrier3A_6 = arith.constant 0 : index
    tpu.barrier barrier_id(%barrier3A_6)
    %mul3A_7 = arith.constant 640 : i32
    %mul3A_8 = arith.muli %arg1, %mul3A_7 : i32
    %mul3A_9 = arith.constant 10240 : i32
    %mul3A_10 = arith.muli %arg0, %mul3A_9 : i32
    %mul3A_11 = arith.constant 640 : i32
    %mul3A_12 = arith.muli %arg1, %mul3A_11 : i32
    %add3A = arith.addi %mul3A_10, %mul3A_12 : i32
    "tpu.region"() ({
      %run_scoped3A = tpu.sem_alloc : memref<!tpu.dma_semaphore, #tpu.memory_space<semaphore_mem>>
      %dma_start3A = arith.constant 0 : i32
      %dma_start3A_13 = tpu.memref_slice %arg6[%add3A, %dma_start3A] : memref<20480x128xf32, #tpu.memory_space<hbm>> -> memref<640x128xf32, #tpu.memory_space<hbm>>
      %dma_start3A_14 = arith.constant 0 : i32
      %dma_start3A_15 = tpu.memref_slice %arg10[%mul3A_8, %dma_start3A_14] : memref<10240x128xf32, #tpu.memory_space<vmem_shared>> -> memref<640x128xf32, #tpu.memory_space<vmem_shared>>
      tpu.enqueue_dma source(%dma_start3A_15 : memref<640x128xf32, #tpu.memory_space<vmem_shared>>) target(%dma_start3A_13 : memref<640x128xf32, #tpu.memory_space<hbm>>) target_semaphore(%run_scoped3A : memref<!tpu.dma_semaphore, #tpu.memory_space<semaphore_mem>>)
      %dma_wait3A = arith.constant 0 : i32
      %dma_wait3A_16 = tpu.memref_slice %arg6[%add3A, %dma_wait3A] : memref<20480x128xf32, #tpu.memory_space<hbm>> -> memref<640x128xf32, #tpu.memory_space<hbm>>
      %dma_wait3A_17 = arith.constant 0 : i32
      %dma_wait3A_18 = tpu.memref_slice %arg10[%mul3A_8, %dma_wait3A_17] : memref<10240x128xf32, #tpu.memory_space<vmem_shared>> -> memref<640x128xf32, #tpu.memory_space<vmem_shared>>
      tpu.wait_dma2 semaphore(%run_scoped3A : memref<!tpu.dma_semaphore, #tpu.memory_space<semaphore_mem>>) src(%dma_wait3A_18 : memref<640x128xf32, #tpu.memory_space<vmem_shared>>) dst(%dma_wait3A_16 : memref<640x128xf32, #tpu.memory_space<hbm>>)
      tpu.yield
    }) : () -> ()
    return
  }
}

#map = affine_map<(d0, d1) -> (0, 0, 0, 0, 0)>
#map1 = affine_map<(d0, d1) -> (0, 0)>
module attributes {stable_mosaic.version = 14 : i64} {
  func.func @_deg_kernel(%arg0: i32, %arg1: i32, %arg2: memref<2x16x5x32x128xi32, #tpu.memory_space<hbm>>, %arg3: memref<128x128xf32, #tpu.memory_space<hbm>>, %arg4: memref<640x128xf32, #tpu.memory_space<hbm>>, %arg5: memref<20480x128xf32, #tpu.memory_space<hbm>>, %arg6: memref<32x128xi32, #tpu.memory_space<vmem>>, %arg7: memref<128x128xf32, #tpu.memory_space<vmem>>, %arg8: memref<10240x128xf32, #tpu.memory_space<vmem_shared>>) attributes {dimension_semantics = [#tpu.dimension_semantics<core_parallel>, #tpu.dimension_semantics<subcore_parallel>], iteration_bounds = array<i64: 2, 16>, scalar_prefetch = 0 : i64, scratch_operands = 3 : i64, tpu.core_type = #tpu.core_type<sc_vector_subcore>, window_params = [{transform_indices = #map}, {transform_indices = #map1}, {transform_indices = #map1}, {transform_indices = #map1}]} {
    %mul3A = arith.constant 640 : i32
    %mul3A_0 = arith.muli %arg1, %mul3A : i32
    "tpu.region"() ({
      %run_scoped3A = tpu.sem_alloc : memref<!tpu.dma_semaphore, #tpu.memory_space<semaphore_mem>>
      %dma_start3A = arith.constant 0 : i32
      %dma_start3A_13 = tpu.memref_slice %arg8[%mul3A_0, %dma_start3A] : memref<10240x128xf32, #tpu.memory_space<vmem_shared>> -> memref<640x128xf32, #tpu.memory_space<vmem_shared>>
      tpu.enqueue_dma source(%arg4 : memref<640x128xf32, #tpu.memory_space<hbm>>) target(%dma_start3A_13 : memref<640x128xf32, #tpu.memory_space<vmem_shared>>) target_semaphore(%run_scoped3A : memref<!tpu.dma_semaphore, #tpu.memory_space<semaphore_mem>>)
      %dma_wait3A = arith.constant 0 : i32
      %dma_wait3A_14 = tpu.memref_slice %arg8[%mul3A_0, %dma_wait3A] : memref<10240x128xf32, #tpu.memory_space<vmem_shared>> -> memref<640x128xf32, #tpu.memory_space<vmem_shared>>
      tpu.wait_dma2 semaphore(%run_scoped3A : memref<!tpu.dma_semaphore, #tpu.memory_space<semaphore_mem>>) src(%arg4 : memref<640x128xf32, #tpu.memory_space<hbm>>) dst(%dma_wait3A_14 : memref<640x128xf32, #tpu.memory_space<vmem_shared>>)
      tpu.yield
    }) : () -> ()
    "tpu.region"() ({
      %run_scoped3A = tpu.sem_alloc : memref<!tpu.dma_semaphore, #tpu.memory_space<semaphore_mem>>
      tpu.enqueue_dma source(%arg3 : memref<128x128xf32, #tpu.memory_space<hbm>>) target(%arg7 : memref<128x128xf32, #tpu.memory_space<vmem>>) target_semaphore(%run_scoped3A : memref<!tpu.dma_semaphore, #tpu.memory_space<semaphore_mem>>)
      tpu.wait_dma2 semaphore(%run_scoped3A : memref<!tpu.dma_semaphore, #tpu.memory_space<semaphore_mem>>) src(%arg3 : memref<128x128xf32, #tpu.memory_space<hbm>>) dst(%arg7 : memref<128x128xf32, #tpu.memory_space<vmem>>)
      tpu.yield
    }) : () -> ()
    %barrier3A = arith.constant 0 : index
    tpu.barrier barrier_id(%barrier3A)
    %scan3A = arith.constant 0 : i32
    %scan3A_1 = arith.constant 0 : i32
    %scan3A_2 = arith.constant 5 : i32
    %scan3A_3 = arith.addi %scan3A_1, %scan3A_2 : i32
    %scan3A_4 = arith.constant 1 : i32
    scf.for %scan3A_13 = %scan3A_1 to %scan3A_3 step %scan3A_4  : i32 {
      "tpu.region"() ({
        %run_scoped3A = tpu.sem_alloc : memref<!tpu.dma_semaphore, #tpu.memory_space<semaphore_mem>>
        %dma_start3A = arith.constant 0 : i32
        %dma_start3A_19 = arith.constant 0 : i32
        %dma_start3A_20 = tpu.memref_slice %arg2[%arg0, %arg1, %scan3A_13, %dma_start3A, %dma_start3A_19] : memref<2x16x5x32x128xi32, #tpu.memory_space<hbm>> -> memref<1x1x1x32x128xi32, #tpu.memory_space<hbm>>
        %dma_start3A_21 = tpu.memref_squeeze %dma_start3A_20 : memref<1x1x1x32x128xi32, #tpu.memory_space<hbm>> -> memref<32x128xi32, #tpu.memory_space<hbm>>
        %dma_start3A_22 = arith.constant 0 : i32
        %dma_start3A_23 = arith.constant 0 : i32
        %dma_start3A_24 = tpu.memref_slice %arg2[%arg0, %arg1, %scan3A_13, %dma_start3A_22, %dma_start3A_23] : memref<2x16x5x32x128xi32, #tpu.memory_space<hbm>> -> memref<1x1x1x32x128xi32, #tpu.memory_space<hbm>>
        %dma_start3A_25 = tpu.memref_squeeze %dma_start3A_24 : memref<1x1x1x32x128xi32, #tpu.memory_space<hbm>> -> memref<32x128xi32, #tpu.memory_space<hbm>>
        tpu.enqueue_dma source(%dma_start3A_25 : memref<32x128xi32, #tpu.memory_space<hbm>>) target(%arg6 : memref<32x128xi32, #tpu.memory_space<vmem>>) target_semaphore(%run_scoped3A : memref<!tpu.dma_semaphore, #tpu.memory_space<semaphore_mem>>)
        %dma_wait3A = arith.constant 0 : i32
        %dma_wait3A_26 = arith.constant 0 : i32
        %dma_wait3A_27 = tpu.memref_slice %arg2[%arg0, %arg1, %scan3A_13, %dma_wait3A, %dma_wait3A_26] : memref<2x16x5x32x128xi32, #tpu.memory_space<hbm>> -> memref<1x1x1x32x128xi32, #tpu.memory_space<hbm>>
        %dma_wait3A_28 = tpu.memref_squeeze %dma_wait3A_27 : memref<1x1x1x32x128xi32, #tpu.memory_space<hbm>> -> memref<32x128xi32, #tpu.memory_space<hbm>>
        %dma_wait3A_29 = arith.constant 0 : i32
        %dma_wait3A_30 = arith.constant 0 : i32
        %dma_wait3A_31 = tpu.memref_slice %arg2[%arg0, %arg1, %scan3A_13, %dma_wait3A_29, %dma_wait3A_30] : memref<2x16x5x32x128xi32, #tpu.memory_space<hbm>> -> memref<1x1x1x32x128xi32, #tpu.memory_space<hbm>>
        %dma_wait3A_32 = tpu.memref_squeeze %dma_wait3A_31 : memref<1x1x1x32x128xi32, #tpu.memory_space<hbm>> -> memref<32x128xi32, #tpu.memory_space<hbm>>
        tpu.wait_dma2 semaphore(%run_scoped3A : memref<!tpu.dma_semaphore, #tpu.memory_space<semaphore_mem>>) src(%dma_wait3A_32 : memref<32x128xi32, #tpu.memory_space<hbm>>) dst(%arg6 : memref<32x128xi32, #tpu.memory_space<vmem>>)
        tpu.yield
      }) : () -> ()
      %scan3A_14 = arith.constant 0 : i32
      %scan3A_15 = arith.constant 32 : i32
      %scan3A_16 = arith.addi %scan3A_14, %scan3A_15 : i32
      %scan3A_17 = arith.constant 1 : i32
      scf.for %scan3A_19 = %scan3A_14 to %scan3A_16 step %scan3A_17  : i32 {
        "tpu.region"() ({
          %run_scoped3A = tpu.sem_alloc : memref<!tpu.dma_semaphore, #tpu.memory_space<semaphore_mem>>
          %dma_start3A = arith.constant 0 : i32
          %dma_start3A_20 = tpu.memref_slice %arg6[%scan3A_19, %dma_start3A] : memref<32x128xi32, #tpu.memory_space<vmem>> -> memref<1x128xi32, #tpu.memory_space<vmem>>
          %dma_start3A_21 = tpu.memref_squeeze %dma_start3A_20 : memref<1x128xi32, #tpu.memory_space<vmem>> -> memref<128xi32, #tpu.memory_space<vmem>>
          %dma_start3A_22 = arith.constant 0 : i32
          %dma_start3A_23 = arith.constant 0 : i32
          %dma_start3A_24 = tpu.memref_slice %arg8[%dma_start3A_22, %dma_start3A_23] : memref<10240x128xf32, #tpu.memory_space<vmem_shared>> -> memref<10240x128xf32, #tpu.memory_space<vmem_shared>>
          tpu.enqueue_indirect_dma source(%arg7 : memref<128x128xf32, #tpu.memory_space<vmem>>) target(%dma_start3A_24 : memref<10240x128xf32, #tpu.memory_space<vmem_shared>>) offsets(%dma_start3A_21 : memref<128xi32, #tpu.memory_space<vmem>>) semaphore(%run_scoped3A : memref<!tpu.dma_semaphore, #tpu.memory_space<semaphore_mem>>) {add = true}
          %dma_wait3A = arith.constant 0 : i32
          %dma_wait3A_25 = tpu.memref_slice %arg6[%scan3A_19, %dma_wait3A] : memref<32x128xi32, #tpu.memory_space<vmem>> -> memref<1x128xi32, #tpu.memory_space<vmem>>
          %dma_wait3A_26 = tpu.memref_squeeze %dma_wait3A_25 : memref<1x128xi32, #tpu.memory_space<vmem>> -> memref<128xi32, #tpu.memory_space<vmem>>
          %dma_wait3A_27 = arith.constant 0 : i32
          %dma_wait3A_28 = arith.constant 0 : i32
          %dma_wait3A_29 = tpu.memref_slice %arg8[%dma_wait3A_27, %dma_wait3A_28] : memref<10240x128xf32, #tpu.memory_space<vmem_shared>> -> memref<10240x128xf32, #tpu.memory_space<vmem_shared>>
          tpu.wait_indirect_dma semaphore(%run_scoped3A : memref<!tpu.dma_semaphore, #tpu.memory_space<semaphore_mem>>) src(%arg7 : memref<128x128xf32, #tpu.memory_space<vmem>>) dst(%dma_wait3A_29 : memref<10240x128xf32, #tpu.memory_space<vmem_shared>>)
          tpu.yield
        }) : () -> ()
      }
      %scan3A_18 = arith.constant 32 : i32
    }
    %scan3A_5 = arith.constant 5 : i32
    %barrier3A_6 = arith.constant 0 : index
    tpu.barrier barrier_id(%barrier3A_6)
    %mul3A_7 = arith.constant 640 : i32
    %mul3A_8 = arith.muli %arg1, %mul3A_7 : i32
    %mul3A_9 = arith.constant 10240 : i32
    %mul3A_10 = arith.muli %arg0, %mul3A_9 : i32
    %mul3A_11 = arith.constant 640 : i32
    %mul3A_12 = arith.muli %arg1, %mul3A_11 : i32
    %add3A = arith.addi %mul3A_10, %mul3A_12 : i32
    "tpu.region"() ({
      %run_scoped3A = tpu.sem_alloc : memref<!tpu.dma_semaphore, #tpu.memory_space<semaphore_mem>>
      %dma_start3A = arith.constant 0 : i32
      %dma_start3A_13 = tpu.memref_slice %arg5[%add3A, %dma_start3A] : memref<20480x128xf32, #tpu.memory_space<hbm>> -> memref<640x128xf32, #tpu.memory_space<hbm>>
      %dma_start3A_14 = arith.constant 0 : i32
      %dma_start3A_15 = tpu.memref_slice %arg8[%mul3A_8, %dma_start3A_14] : memref<10240x128xf32, #tpu.memory_space<vmem_shared>> -> memref<640x128xf32, #tpu.memory_space<vmem_shared>>
      tpu.enqueue_dma source(%dma_start3A_15 : memref<640x128xf32, #tpu.memory_space<vmem_shared>>) target(%dma_start3A_13 : memref<640x128xf32, #tpu.memory_space<hbm>>) target_semaphore(%run_scoped3A : memref<!tpu.dma_semaphore, #tpu.memory_space<semaphore_mem>>)
      %dma_wait3A = arith.constant 0 : i32
      %dma_wait3A_16 = tpu.memref_slice %arg5[%add3A, %dma_wait3A] : memref<20480x128xf32, #tpu.memory_space<hbm>> -> memref<640x128xf32, #tpu.memory_space<hbm>>
      %dma_wait3A_17 = arith.constant 0 : i32
      %dma_wait3A_18 = tpu.memref_slice %arg8[%mul3A_8, %dma_wait3A_17] : memref<10240x128xf32, #tpu.memory_space<vmem_shared>> -> memref<640x128xf32, #tpu.memory_space<vmem_shared>>
      tpu.wait_dma2 semaphore(%run_scoped3A : memref<!tpu.dma_semaphore, #tpu.memory_space<semaphore_mem>>) src(%dma_wait3A_18 : memref<640x128xf32, #tpu.memory_space<vmem_shared>>) dst(%dma_wait3A_16 : memref<640x128xf32, #tpu.memory_space<hbm>>)
      tpu.yield
    }) : () -> ()
    return
  }
}

module attributes {stable_mosaic.version = 14 : i64} {
  func.func @_scale1_body(%arg0: i32, %arg1: memref<2048x128xf32, #tpu.memory_space<vmem>>, %arg2: memref<2048x128xf32, #tpu.memory_space<vmem>>, %arg3: memref<2048x128xf32, #tpu.memory_space<vmem>>) attributes {dimension_semantics = [#tpu.dimension_semantics<arbitrary>], iteration_bounds = array<i64: 10>, scalar_prefetch = 0 : i64, scratch_operands = 0 : i64, tpu.core_type = #tpu.core_type<tc>, window_params = [{transform_indices = @transform_0, window_bounds = array<i64: 2048, 128>}, {transform_indices = @transform_1, window_bounds = array<i64: 2048, 128>}, {transform_indices = @transform_2, window_bounds = array<i64: 2048, 128>}]} {
    %get3A = arith.constant 0 : index
    %get3A_0 = arith.constant 0 : index
    %get3A_1 = vector.load %arg1[%get3A, %get3A_0] : memref<2048x128xf32, #tpu.memory_space<vmem>>, vector<2048x1xf32>
    %sqrt3A = math.sqrt %get3A_1 : vector<2048x1xf32>
    %add3A = arith.constant 9.99999993E-9 : f32
    %add3A_2 = vector.broadcast %add3A : f32 to vector<2048x1xf32>
    %add3A_3 = arith.addf %sqrt3A, %add3A_2 : vector<2048x1xf32>
    %div3A = arith.constant 1.000000e+00 : f32
    %div3A_4 = vector.broadcast %div3A : f32 to vector<2048x1xf32>
    %div3A_5 = arith.divf %div3A_4, %add3A_3 : vector<2048x1xf32>
    %get3A_6 = arith.constant 0 : index
    %get3A_7 = arith.constant 0 : index
    %get3A_8 = vector.load %arg2[%get3A_6, %get3A_7] : memref<2048x128xf32, #tpu.memory_space<vmem>>, vector<2048x128xf32>
    %mul3A = vector.broadcast %div3A_5 : vector<2048x1xf32> to vector<2048x128xf32>
    %mul3A_9 = arith.mulf %get3A_8, %mul3A : vector<2048x128xf32>
    %swap3A = arith.constant 0 : index
    %swap3A_10 = arith.constant 0 : index
    %swap3A_11 = vector.load %arg3[%swap3A, %swap3A_10] : memref<2048x128xf32, #tpu.memory_space<vmem>>, vector<2048x128xf32>
    tpu.vector_store %arg3[%swap3A, %swap3A_10], %mul3A_9 {strides = array<i32>} : memref<2048x128xf32, #tpu.memory_space<vmem>>, vector<2048x128xf32>,
    return
  }
  func.func @transform_0(%arg0: i32) -> (i32, i32) {
    %c0_i32 = arith.constant 0 : i32
    %c0_i32_0 = arith.constant 0 : i32
    return %arg0, %c0_i32 : i32, i32
  }
  func.func @transform_1(%arg0: i32) -> (i32, i32) {
    %c0_i32 = arith.constant 0 : i32
    %c0_i32_0 = arith.constant 0 : i32
    return %arg0, %c0_i32 : i32, i32
  }
  func.func @transform_2(%arg0: i32) -> (i32, i32) {
    %c0_i32 = arith.constant 0 : i32
    %c0_i32_0 = arith.constant 0 : i32
    return %arg0, %c0_i32 : i32, i32
  }
}

module attributes {stable_mosaic.version = 14 : i64} {
  func.func @_scale2_body(%arg0: i32, %arg1: memref<2048x128xf32, #tpu.memory_space<vmem>>, %arg2: memref<2048x128xf32, #tpu.memory_space<vmem>>, %arg3: memref<2048x128xf32, #tpu.memory_space<vmem>>) attributes {dimension_semantics = [#tpu.dimension_semantics<arbitrary>], iteration_bounds = array<i64: 10>, scalar_prefetch = 0 : i64, scratch_operands = 0 : i64, tpu.core_type = #tpu.core_type<tc>, window_params = [{transform_indices = @transform_0, window_bounds = array<i64: 2048, 128>}, {transform_indices = @transform_1, window_bounds = array<i64: 2048, 128>}, {transform_indices = @transform_2, window_bounds = array<i64: 2048, 128>}]} {
    %get3A = arith.constant 0 : index
    %get3A_0 = arith.constant 0 : index
    %get3A_1 = vector.load %arg1[%get3A, %get3A_0] : memref<2048x128xf32, #tpu.memory_space<vmem>>, vector<2048x1xf32>
    %sqrt3A = math.sqrt %get3A_1 : vector<2048x1xf32>
    %add3A = arith.constant 9.99999993E-9 : f32
    %add3A_2 = vector.broadcast %add3A : f32 to vector<2048x1xf32>
    %add3A_3 = arith.addf %sqrt3A, %add3A_2 : vector<2048x1xf32>
    %div3A = arith.constant 1.000000e+00 : f32
    %div3A_4 = vector.broadcast %div3A : f32 to vector<2048x1xf32>
    %div3A_5 = arith.divf %div3A_4, %add3A_3 : vector<2048x1xf32>
    %get3A_6 = arith.constant 0 : index
    %get3A_7 = arith.constant 0 : index
    %get3A_8 = vector.load %arg2[%get3A_6, %get3A_7] : memref<2048x128xf32, #tpu.memory_space<vmem>>, vector<2048x128xf32>
    %mul3A = arith.mulf %div3A_5, %div3A_5 : vector<2048x1xf32>
    %mul3A_9 = vector.broadcast %mul3A : vector<2048x1xf32> to vector<2048x128xf32>
    %mul3A_10 = arith.mulf %get3A_8, %mul3A_9 : vector<2048x128xf32>
    %swap3A = arith.constant 0 : index
    %swap3A_11 = arith.constant 0 : index
    %swap3A_12 = vector.load %arg3[%swap3A, %swap3A_11] : memref<2048x128xf32, #tpu.memory_space<vmem>>, vector<2048x128xf32>
    tpu.vector_store %arg3[%swap3A, %swap3A_11], %mul3A_10 {strides = array<i32>} : memref<2048x128xf32, #tpu.memory_space<vmem>>, vector<2048x128xf32>,
    return
  }
  func.func @transform_0(%arg0: i32) -> (i32, i32) {
    %c0_i32 = arith.constant 0 : i32
    %c0_i32_0 = arith.constant 0 : i32
    return %arg0, %c0_i32 : i32, i32
  }
  func.func @transform_1(%arg0: i32) -> (i32, i32) {
    %c0_i32 = arith.constant 0 : i32
    %c0_i32_0 = arith.constant 0 : i32
    return %arg0, %c0_i32 : i32, i32
  }
  func.func @transform_2(%arg0: i32) -> (i32, i32) {
    %c0_i32 = arith.constant 0 : i32
    %c0_i32_0 = arith.constant 0 : i32
    return %arg0, %c0_i32 : i32, i32
  }
}

module attributes {stable_mosaic.version = 14 : i64} {
  func.func @_combine_body(%arg0: i32, %arg1: memref<2048x128xf32, #tpu.memory_space<vmem>>, %arg2: memref<2048x128xf32, #tpu.memory_space<vmem>>, %arg3: memref<2048x128xf32, #tpu.memory_space<vmem>>, %arg4: memref<2048x128xf32, #tpu.memory_space<vmem>>, %arg5: memref<2048x128xf32, #tpu.memory_space<vmem>>) attributes {dimension_semantics = [#tpu.dimension_semantics<arbitrary>], iteration_bounds = array<i64: 10>, scalar_prefetch = 0 : i64, scratch_operands = 0 : i64, tpu.core_type = #tpu.core_type<tc>, window_params = [{transform_indices = @transform_0, window_bounds = array<i64: 2048, 128>}, {transform_indices = @transform_1, window_bounds = array<i64: 2048, 128>}, {transform_indices = @transform_2, window_bounds = array<i64: 2048, 128>}, {transform_indices = @transform_3, window_bounds = array<i64: 2048, 128>}, {transform_indices = @transform_4, window_bounds = array<i64: 2048, 128>}]} {
    %get3A = arith.constant 0 : index
    %get3A_0 = arith.constant 0 : index
    %get3A_1 = vector.load %arg1[%get3A, %get3A_0] : memref<2048x128xf32, #tpu.memory_space<vmem>>, vector<2048x1xf32>
    %sqrt3A = math.sqrt %get3A_1 : vector<2048x1xf32>
    %add3A = arith.constant 9.99999993E-9 : f32
    %add3A_2 = vector.broadcast %add3A : f32 to vector<2048x1xf32>
    %add3A_3 = arith.addf %sqrt3A, %add3A_2 : vector<2048x1xf32>
    %div3A = arith.constant 1.000000e+00 : f32
    %div3A_4 = vector.broadcast %div3A : f32 to vector<2048x1xf32>
    %div3A_5 = arith.divf %div3A_4, %add3A_3 : vector<2048x1xf32>
    %get3A_6 = arith.constant 0 : index
    %get3A_7 = arith.constant 0 : index
    %get3A_8 = vector.load %arg2[%get3A_6, %get3A_7] : memref<2048x128xf32, #tpu.memory_space<vmem>>, vector<2048x128xf32>
    %get3A_9 = arith.constant 0 : index
    %get3A_10 = arith.constant 0 : index
    %get3A_11 = vector.load %arg3[%get3A_9, %get3A_10] : memref<2048x128xf32, #tpu.memory_space<vmem>>, vector<2048x128xf32>
    %get3A_12 = arith.constant 0 : index
    %get3A_13 = arith.constant 0 : index
    %get3A_14 = vector.load %arg4[%get3A_12, %get3A_13] : memref<2048x128xf32, #tpu.memory_space<vmem>>, vector<2048x128xf32>
    %add3A_15 = arith.addf %get3A_11, %get3A_14 : vector<2048x128xf32>
    %mul3A = vector.broadcast %div3A_5 : vector<2048x1xf32> to vector<2048x128xf32>
    %mul3A_16 = arith.mulf %add3A_15, %mul3A : vector<2048x128xf32>
    %add3A_17 = arith.addf %get3A_8, %mul3A_16 : vector<2048x128xf32>
    %mul3A_18 = arith.constant 0.333333343 : f32
    %mul3A_19 = vector.broadcast %mul3A_18 : f32 to vector<2048x128xf32>
    %mul3A_20 = arith.mulf %add3A_17, %mul3A_19 : vector<2048x128xf32>
    %swap3A = arith.constant 0 : index
    %swap3A_21 = arith.constant 0 : index
    %swap3A_22 = vector.load %arg5[%swap3A, %swap3A_21] : memref<2048x128xf32, #tpu.memory_space<vmem>>, vector<2048x128xf32>
    tpu.vector_store %arg5[%swap3A, %swap3A_21], %mul3A_20 {strides = array<i32>} : memref<2048x128xf32, #tpu.memory_space<vmem>>, vector<2048x128xf32>,
    return
  }
  func.func @transform_0(%arg0: i32) -> (i32, i32) {
    %c0_i32 = arith.constant 0 : i32
    %c0_i32_0 = arith.constant 0 : i32
    return %arg0, %c0_i32 : i32, i32
  }
  func.func @transform_1(%arg0: i32) -> (i32, i32) {
    %c0_i32 = arith.constant 0 : i32
    %c0_i32_0 = arith.constant 0 : i32
    return %arg0, %c0_i32 : i32, i32
  }
  func.func @transform_2(%arg0: i32) -> (i32, i32) {
    %c0_i32 = arith.constant 0 : i32
    %c0_i32_0 = arith.constant 0 : i32
    return %arg0, %c0_i32 : i32, i32
  }
  func.func @transform_3(%arg0: i32) -> (i32, i32) {
    %c0_i32 = arith.constant 0 : i32
    %c0_i32_0 = arith.constant 0 : i32
    return %arg0, %c0_i32 : i32, i32
  }
  func.func @transform_4(%arg0: i32) -> (i32, i32) {
    %c0_i32 = arith.constant 0 : i32
    %c0_i32_0 = arith.constant 0 : i32
    return %arg0, %c0_i32 : i32, i32
  }
}

</mosaic_0001>

<sc_bundles>
// kernel: kernel.11.cloned.1.call-start
scs
__scs_entry_jumppad:
0x0: {  	(pc) =	sbr.rel $0x88, $3  }
0x1: {  	(tag) =	ssettag $0x0;
	lr =	simm.s32 $0x1  }
0x2: {  	[smem:$0x3F9E] =	sst lr;
	_ =	strace $0xD0000000  }
0x3: {  	_ = 	snop  }
0x4: {  	_ = 	snop  }
0x5: {  	_ = 	snop  }
0x6: {  	_ = 	snop  }
0x7: {  	_ = 	snop  }
__scs_overlays_trampoline_lowered:
0x8: {  	[smem:$0x3FAD] =	sst s0  }
0x9: {  	[smem:$0x3FAE] =	sst s1  }
0xa: {  	[smem:$0x3FAF] =	sst s2  }
0xb: {  	[smem:$0x3FB0] =	sst s3  }
0xc: {  	[smem:$0x3FB1] =	sst s4  }
0xd: {  	[smem:$0x3FB2] =	sst s5  }
0xe: {  	[smem:$0x3FB3] =	sst s6  }
0xf: {  	[smem:$0x3FB4] =	sst s7  }
0x10: {  	[smem:$0x3FB5] =	sst s8  }
0x11: {  	[smem:$0x3FB6] =	sst s9;
	s0 =	simm.s32 @!p0 $0x0  }
0x12: {  	s1 =	sld [smem:$0x3F9C];
	s0 =	simm.s32 @p0 $0x1  }
0x13: {  	[smem:$0x3FB7] =	sst s0;
	s0 =	simm.s32 @!p1 $0x0  }
0x14: {  	s2 =	sld [smem:$0x3F9B];
	s0 =	simm.s32 @p1 $0x1  }
0x15: {  	[smem:$0x3FB8] =	sst s0;
	s0 =	simm.s32 @!p2 $0x0  }
0x16: {  	s3 =	sld [smem:$0x3FDB];
	s0 =	simm.s32 @p2 $0x1  }
0x17: {  	s4 =	simm.s32 $0x1BF5;
	[smem:$0x3FBA] =	sst s0  }
0x18: {  	s0 =	sld [smem:$0x3F9D];
	_ =	swait.ge [sflag:s4], $0x0  }
0x19: {  	s7 =	sld [smem:$0x3F9E]  }
0x1a: {  	s8 =	sadd.s32 $0xFFFFE003, lr  }
0x1b: {  	s9 =	sadd.s32 $0xFFFFFEF7, lr;
	s5 =	simm.s32 $0xFFFFFFFF;
	p2 =	slt.u32 s8, $0xFFFFF086  }
0x1c: {  	p1 =	slt.u32 s9, $0xF7A;
	s5 =	simm.s32 @!p2 $0x0  }
0x1d: {  	s5 =	simm.s32 @p1 $0x1;
	p0 =	seq.s32 s7, s2  }
0x1e: {  	s7 =	smul.u32 @!p0 $0xF7A, s2;
	p2 =	seq.s32 @!p0 s5, $0x0  }
0x1f: {  	s9 =	smul.u32 $0xF7A, s1;
	s8 =	simm.s32 @!p0 $0x1BF5;
	p2 =	por !p2, p0  }
0x20: {  	[sflag:s8] =	ssyncset.s32 @!p0 $0xFFFFF086;
	s6 =	sadd.s32 @!p0 s3, s7;
	s7 =	simm.s32 @!p0 $0x108  }
0x21: {  	s3 =	sadd.s32 s3, s9;
	s6 =	sadd.s32 @!p0 $0x88, s6;
	s7 =	simm.s32 @p2 $0x1082  }
0x22: {  	[simem:s7], [sflag:s8] =	dma.local @!p0 [hbm:s6], $0xF7A  }
0x23: {  	s9 =	sor.u32 $0xD0000000, s2;
	s6 =	simm.s32 $0x108;
	_ =	swait.ge @!p0 [sflag:s8], $0x0  }
0x24: {  	s3 =	sadd.s32 $0x88, s3;
	s6 =	simm.s32 @!p1 $0x1082;
	[sflag:s4] =	ssyncset.s32 $0xFFFFF086  }
0x25: {  	[simem:s6], [sflag:s4] =	dma.local [hbm:s3], $0xF7A  }
0x26: {  	[smem:$0x3F9E] =	sst s1;
	(tag) =	ssettag s2;
	_ =	strace s9  }
0x27: {  	s1 =	sld [smem:$0x3FAE]  }
0x28: {  	s2 =	sld [smem:$0x3FAF]  }
0x29: {  	s4 =	sld [smem:$0x3FB1]  }
0x2a: {  	p0 =	seq.s32 s5, $0x0;
	s5 =	sld [smem:$0x3FB2]  }
0x2b: {  	s6 =	sld [smem:$0x3FB3]  }
0x2c: {  	s7 =	sld [smem:$0x3FB4]  }
0x2d: {  	s3 =	simm.s32 $0x108;
	s8 =	sld [smem:$0x3FB5]  }
0x2e: {  	s3 =	simm.s32 @!p0 $0x1082;
	s9 =	sld [smem:$0x3FB6]  }
0x2f: {  	lr =	sadd.s32 s0, s3;
	s0 =	sld [smem:$0x3FAD]  }
0x30: {  	s3 =	sld [smem:$0x3FB0]  }
0x31: {  	[smem:$0x3FB9] =	sst s10  }
0x32: {  	s10 =	sld [smem:$0x3FB7];
	_ =	sdelay $0x3  }
0x33: {  	p0 =	seq.s32 s10, $0x1;
	s10 =	sld [smem:$0x3FB9];
	_ =	sdelay $0x3  }
0x34: {  	[smem:$0x3FB9] =	sst s10  }
0x35: {  	s10 =	sld [smem:$0x3FB8];
	_ =	sdelay $0x3  }
0x36: {  	p1 =	seq.s32 s10, $0x1;
	s10 =	sld [smem:$0x3FB9];
	_ =	sdelay $0x3  }
0x37: {  	[smem:$0x3FB9] =	sst s10  }
0x38: {  	s10 =	sld [smem:$0x3FBA]  }
0x39: {  	_ = 	snop;
	(pc) =	sbr.ind lr, $3  }
0x3a: {  	_ = 	snop  }
0x3b: {  	_ = 	snop  }
0x3c: {  	p2 =	seq.s32 s10, $0x1;
	s10 =	sld [smem:$0x3FB9]  }
0x3d: {  	_ =	shalt  }
0x3e: {  	_ =	shalt  }
0x3f: {  	_ =	shalt  }
0x40: {  	_ =	shalt  }
0x41: {  	_ =	shalt  }
0x42: {  	_ =	shalt  }
0x43: {  	_ =	shalt  }
0x44: {  	_ =	shalt  }
0x45: {  	_ =	shalt  }
0x46: {  	_ =	shalt  }
0x47: {  	_ =	shalt  }
0x48: {  	_ =	shalt  }
0x49: {  	_ =	shalt  }
0x4a: {  	_ =	shalt  }
0x4b: {  	_ =	shalt  }
0x4c: {  	_ =	shalt  }
0x4d: {  	_ =	shalt  }
0x4e: {  	_ =	shalt  }
0x4f: {  	_ =	shalt  }
0x50: {  	_ =	shalt  }
0x51: {  	_ =	shalt  }
0x52: {  	_ =	shalt  }
0x53: {  	_ =	shalt  }
0x54: {  	_ =	shalt  }
0x55: {  	_ =	shalt  }
0x56: {  	_ =	shalt  }
0x57: {  	_ =	shalt  }
0x58: {  	_ =	shalt  }
0x59: {  	_ =	shalt  }
0x5a: {  	_ =	shalt  }
0x5b: {  	_ =	shalt  }
0x5c: {  	_ =	shalt  }
0x5d: {  	_ =	shalt  }
0x5e: {  	_ =	shalt  }
0x5f: {  	_ =	shalt  }
0x60: {  	_ =	shalt  }
0x61: {  	_ =	shalt  }
0x62: {  	_ =	shalt  }
0x63: {  	_ =	shalt  }
0x64: {  	_ =	shalt  }
0x65: {  	_ =	shalt  }
0x66: {  	_ =	shalt  }
0x67: {  	_ =	shalt  }
0x68: {  	_ =	shalt  }
0x69: {  	_ =	shalt  }
0x6a: {  	_ =	shalt  }
0x6b: {  	_ =	shalt  }
0x6c: {  	_ =	shalt  }
0x6d: {  	_ =	shalt  }
0x6e: {  	_ =	shalt  }
0x6f: {  	_ =	shalt  }
0x70: {  	_ =	shalt  }
0x71: {  	_ =	shalt  }
0x72: {  	_ =	shalt  }
0x73: {  	_ =	shalt  }
0x74: {  	_ =	shalt  }
0x75: {  	_ =	shalt  }
0x76: {  	_ =	shalt  }
0x77: {  	_ =	shalt  }
0x78: {  	_ =	shalt  }
0x79: {  	_ =	shalt  }
0x7a: {  	_ =	shalt  }
0x7b: {  	_ =	shalt  }
0x7c: {  	_ =	shalt  }
0x7d: {  	_ =	shalt  }
0x7e: {  	_ =	shalt  }
0x7f: {  	_ =	shalt  }
0x80: {  	_ =	shalt  }
0x81: {  	_ =	shalt  }
0x82: {  	_ =	shalt  }
0x83: {  	_ =	shalt  }
0x84: {  	_ =	shalt  }
0x85: {  	_ =	shalt  }
0x86: {  	_ =	shalt  }
0x87: {  	_ =	shalt  }
.Lfunc_end0:
.L_simem_size_0:
called_computation.1_lowered:
.L_overlay_start_0:
0x88: {  	s2 =	sld [smem:$0x3FD9]  }
0x89: {  	s3 =	sld [smem:$0x3FFE];
	_ =	sdelay $0x1  }
0x8a: {  	s1 =	srdreg.scid  }
0x8b: {  	s0 =	sand.u32 $0x1, s1  }
0x8c: {  	s14 =	sshll.u32 s0, $0xA;
	s2 =	sadd.s32 s3, s2  }
0x8d: {  	s2 =	sadd.s32 s2, s14  }
0x8e: {  	[smem:$0x3FC5] =	sst s2  }
0x8f: {  	_ = 	snop  }
0x90: {  	s2 =	sld [smem:$0x3FD0];
	_ =	sdelay $0x2  }
0x91: {  	s15 =	simm.s32 $0xA;
	s4 =	simm.s32 $0x10  }
0x92: {  	[smem:s4], [sflag:s15] =	dma.local [hbm:s2], $0x1  }
0x93: {  	_ =	swait.eq [sflag:s15], $0x1  }
0x94: {  	[sflag:s15] =	ssyncset.done $0x0  }
0x95: {  	s16 =	sld [smem:$0x10];
	[sflag:s15] =	ssyncadd.s32 $0xFFFFFFFF  }
0x96: {  	s17 =	sld [smem:$0x11];
	(tm) =	ssettm $0x1  }
0x97: {  	s18 =	sld [smem:$0x3FFB];
	_ =	sdelay $0x3  }
0x98: {  	_ =	strace s18  }
0x99: {  	s4 =	sld [smem:$0x3FFC];
	_ =	sdelay $0x3  }
0x9a: {  	_ =	strace s4  }
0x9b: {  	s4 =	sld [smem:$0x3FFD];
	_ =	sdelay $0x3  }
0x9c: {  	_ =	strace s4  }
0x9d: {  	_ =	strace $0x8FFFFFFF  }
0x9e: {  	s19 =	sld [smem:$0x3FDB];
	_ =	sdelay $0x1  }
0x9f: {  	s5 =	simm.s32 $_scs_section_size  }
0xa0: {  	s6 =	simm.s32 $_size__tile_overlayer_lowered;
	s7 =	simm.s32 $_tile_overlayer_lowered  }
0xa1: {  	s22 =	simm.s32 $0x1BFF;
	s21 =	sshll.u32 s7, $0x1;
	s4 =	sadd.s32 s5, s19  }
0xa2: {  	s8 =	simm.s32 $0x0;
	s20 =	sshll.u32 s6, $0x1;
	s6 =	sadd.s32 s21, s4  }
0xa3: {  	[timem:s8], [sflag:s22] =	dma.local [hbm:s6], s20  }
0xa4: {  	_ =	swait.ge [sflag:s22], s20  }
0xa5: {  	s5 =	ssub.s32 $0x0, s20;
	[sflag:s22] =	ssyncset.done $0x0  }
0xa6: {  	[sflag:s22] =	ssyncadd.s32 s5;
	_ =	sdelay $0x1  }
0xa7: {  	s23 =	simm.s32 $0x1B8B  }
0xa8: {  	_ =	swait.ge [sflag:s23], $0x1  }
0xa9: {  	[sflag:s23] =	ssyncset.done $0x0  }
0xaa: {  	s25 =	simm.s32 $0x1B8E;
	s24 =	sld [smem:$0x3FFE];
	[sflag:s23] =	ssyncadd.s32 $0xFFFFFFFF  }
0xab: {  	s26 =	simm.s32 $execute0_lowered;
	[smem:$0x3FD2] =	sst s25  }
0xac: {  	s6 =	sshll.u32 s26, $0x1;
	_ =	strace $0x80000049;
	[dreg:$0x1] =	wrdreg $0xFFFFFFFF  }
0xad: {  	s28 =	simm.s32 $_size_execute0_lowered;
	s4 =	sadd.s32 s4, s6;
	[dreg:$0x0] =	wrdreg $0x0  }
0xae: {  	s6 =	sshll.u32 s28, $0x1;
	[dreg:$0x2] =	wrdreg s4  }
0xaf: {  	[dreg:$0x3] =	wrdreg s6  }
0xb0: {  	[dreg:$0x4] =	wrdreg $0xC0  }
0xb1: {  	_ =	task [dreg:s8], $0x5FFFF  }
0xb2: {  	[dreg:$0x1] =	wrdreg $0xFFFFFFFF  }
0xb3: {  	[dreg:$0x0] =	wrdreg $0x60  }
0xb4: {  	[dreg:$0x2] =	wrdreg s24  }
0xb5: {  	[dreg:$0x3] =	wrdreg s17  }
0xb6: {  	[dreg:$0x4] =	wrdreg s16  }
0xb7: {  	[dreg:$0x5] =	wrdreg $0x60000  }
0xb8: {  	[dreg:$0x6] =	wrdreg $0x9  }
0xb9: {  	_ =	task.clear_ibuf [dreg:s8], $0x7FFFF;
	_ =	strace $0x90000049  }
0xba: {  	s29 =	simm.s32 $0x9;
	_ =	strace $0x8000004B  }
0xbb: {  	_ =	swait.ge [sflag:s29], $0x1  }
0xbc: {  	[sflag:s29] =	ssyncadd.s32 $0xFFFFFFFF  }
0xbd: {  	_ =	strace $0x9000004B  }
0xbe: {  	_ =	sfence  }
0xbf: {  	s30 =	sld [smem:$0x0];
	_ =	sdelay $0x2  }
0xc0: {  	s31 =	sshll.u32 s1, $0xD;
	s1 =	sshrl.u32 s1, $0x2  }
0xc1: {  	s3 =	sand.u32 $0x4000, s31;
	s1 =	sadd.s32 s1, s30  }
0xc2: {  	s0 =	sor.u32 s3, s0;
	s1 =	sshll.u32 s1, $0x11  }
0xc3: {  	s0 =	sor.u32 s1, s0  }
0xc4: {  	s0 =	sadd.s32 $0x8F2B, s0  }
0xc5: {  	[sflag:s0] =	ssyncadd.remote.s32 $0x1  }
0xc6: {  	_ =	sfence.sel $0xFFFF  }
0xc7: {  	[dreg:$0x0] =	wrdreg $0xFFFFFFFF;
	(pc) =	sbr.abs _section_cstart, $3  }
0xc8: {  	[dreg:$0x1] =	wrdreg $0xFFFFFFFF  }
0xc9: {  	_ =	task.clear_ibuf [dreg:s8], $0x2FFFF;
	_ =	strace $0x9FFFFFFF  }
0xca: {  	(tm) =	ssettm $0x7FFFFFFF  }
0xcb: {  	_ =	shalt  }
tec
execute0_lowered:
.L_overlay_start_1:
0x0: {  	(tag) =	ssettag $0x1  }
0x1: {  	s8 =	rddreg [dreg:$0x0]  }
0x2: {  	s1 =	rddreg [dreg:$0x1]  }
0x3: {  	s3 =	rddreg [dreg:$0x2]  }
0x4: {  	s4 =	rddreg [dreg:$0x3]  }
0x5: {  	s0 =	rddreg [dreg:$0x4]  }
0x6: {  	s6 =	srdreg.scid;
	s2 =	stileid.u32;
	s5 =	simm.s32 $0x0  }
0x7: {  	s15 =	simm.s32 $0x80;
	s16 =	simm.s32 $0x2000;
	s10 =	smul.u32 $0x2800, s2  }
0x8: {  	s9 =	sand.u32 $0x1, s6;
	[smem:$0x7FF] =	sst s5;
	s29 =	smul.u32 $0x50000, s2  }
0x9: {  	s6 =	sadd.s32 $0x5000, s8;
	s7 =	sadd.s32 $0x2800, s8;
	s13 =	smul.u32 $0x5000, s2  }
0xa: {  	s31 =	sshll.u32 s2, $0x6;
	s11 =	smul.u32 $0x28000, s9;
	s30 =	ssub.s32 $0x2, s9  }
0xb: {  	_ =	strace $0x8000004A;
	s9 =	smul.u32 $0x50000, s9;
	s12 =	sshrl.u32 s30, $0x1  }
0xc: {  	s10 =	sadd.s32 s10, s11;
	s11 =	sshrl.u32 s29, $0x2;
	s12 =	ssub.s32 s30, s12  }
0xd: {  	s9 =	sadd.s32 s13, s9;
	s13 =	simm.s32 $0x1;
	s10 =	sadd.s32 s10, s8  }
0xe: {  	s14 =	sadd.s32 s11, s4;
	s8 =	sor.u32 $0x1C01, s31;
	s11 =	smax.u32 s12, $0x1  }
0xf: {  	s10 =	sadd.s32 $0xA5000, s10;
	s12 =	sshrl.u32 s14, $0x3;
	s14 =	simm.s32 $0x1000  }
.LBB2_1:
0x10: {  	[spmem:s12], [sflag:s8] =	dma.local [hbm:s7], $0x2800  }
0x11: {  	_ =	swait.ge [sflag:s13], $0x2800  }
0x12: {  	[sflag:s13] =	ssyncset.done $0x0  }
0x13: {  	[sflag:s13] =	ssyncadd.s32 $0xFFFFD800  }
0x14: {  	s17 =	simm.s32 $0x0;
	[bflag:$0x0] =	sbarrier.arrive $0xFFFF  }
.LBB2_2:
0x15: {  	s18 =	sshll.u32 s17, $0xC  }
0x16: {  	s18 =	sadd.s32 s18, s9  }
0x17: {  	s18 =	sshrl.u32 s18, $0x3  }
0x18: {  	s20 =	simm.s32 $0x0;
	s19 =	sadd.s32 s1, s18  }
0x19: {  	[tilespmem:s20], [sflag:$0x1] =	stream.linear.gather [hbm4b:s19+s20], $0x1000, $0x38;
	[tilespmem:$0x1A000] =	vst v63  }
0x1a: {  	_ =	swait.ge [sflag:s13], $0x1000  }
0x1b: {  	[sflag:s13] =	ssyncset.done $0x0  }
0x1c: {  	s18 =	sadd.s32 s3, s18;
	[sflag:s13] =	ssyncadd.s32 $0xFFFFF000  }
0x1d: {  	[tilespmem:s14], [sflag:$0x1] =	stream.linear.gather [hbm4b:s18+s20], $0x1000, $0x38;
	[tilespmem:$0x1A000] =	vst v63  }
0x1e: {  	_ =	swait.ge [sflag:s13], $0x1000  }
0x1f: {  	[sflag:s13] =	ssyncset.done $0x0  }
0x20: {  	s30 =	simm.s32 $0x0;
	[sflag:s13] =	ssyncadd.s32 $0xFFFFF000  }
0x21: {  	[tilespmem:s16], [sflag:$0x1] =	stream.indirect.gather [hbm4b:s6+s15], $0x80, s30, s15, $0xb8;
	[tilespmem:$0x1A000] =	vst v63  }
0x22: {  	_ =	swait.ge [sflag:s13], $0x4000  }
0x23: {  	[sflag:s13] =	ssyncset.done $0x0  }
0x24: {  	s31 =	simm.s32 $0x1000;
	[sflag:s13] =	ssyncadd.s32 $0xFFFFC000  }
0x25: {  	[spmem:s4] =	stream.indirect.scatter.add.f32 [tilespmem:s16], [sflag:$0x1], $0x80, s31, s15, $0xb8;
	[tilespmem:$0x1A000] =	vst v63  }
0x26: {  	_ =	swait.ge [sflag:s13], $0x4000  }
0x27: {  	s19 =	simm.s32 $0x400;
	s18 =	simm.s32 $0x200;
	[sflag:s13] =	ssyncset.done $0x0  }
.LBB2_3:
0x28: {  	s20 =	sshra.s32 s18, $0x2  }
0x29: {  	[sflag:s13] =	ssyncadd.s32 $0xFFFFC000;
	s18 =	smov.u32 s19;
	s21 =	sadd.s32 $0x200, s19  }
0x2a: {  	[tilespmem:s16], [sflag:$0x1] =	stream.indirect.gather [hbm4b:s6+s15], $0x80, s20, s15, $0xb8;
	[tilespmem:$0x1A000] =	vst v63  }
0x2b: {  	p0 =	sne.s32 s19, $0x3E00;
	_ =	swait.ge [sflag:s13], $0x4000  }
.Ltmp0:
0x2c: {  	[sflag:s13] =	ssyncset.done $0x0;
	(pc) =	sbr.rel @p0 .LBB2_3-.Ltmp0, $4  }
0x2d: {  	s19 =	sadd.s32 $0x1000, s20;
	[sflag:s13] =	ssyncadd.s32 $0xFFFFC000  }
0x2e: {  	[spmem:s4] =	stream.indirect.scatter.add.f32 [tilespmem:s16], [sflag:$0x1], $0x80, s19, s15, $0xb8;
	[tilespmem:$0x1A000] =	vst v63  }
0x2f: {  	_ =	swait.ge [sflag:s13], $0x4000  }
0x30: {  	s19 =	smov.u32 s21;
	[sflag:s13] =	ssyncset.done $0x0  }
0x31: {  	s18 =	sshra.s32 s18, $0x2;
	[sflag:s13] =	ssyncadd.s32 $0xFFFFC000  }
0x32: {  	[tilespmem:s16], [sflag:$0x1] =	stream.indirect.gather [hbm4b:s6+s15], $0x80, s18, s15, $0xb8;
	[tilespmem:$0x1A000] =	vst v63  }
0x33: {  	s17 =	sadd.s32 $0x1, s17;
	_ =	swait.ge [sflag:s13], $0x4000  }
0x34: {  	p0 =	sne.s32 s17, $0x5;
	[sflag:s13] =	ssyncset.done $0x0  }
.Ltmp1:
0x35: {  	s18 =	sadd.s32 $0x1000, s18;
	[sflag:s13] =	ssyncadd.s32 $0xFFFFC000;
	(pc) =	sbr.rel @p0 .LBB2_2-.Ltmp1, $4  }
0x36: {  	[spmem:s4] =	stream.indirect.scatter.add.f32 [tilespmem:s16], [sflag:$0x1], $0x80, s18, s15, $0xb8;
	[tilespmem:$0x1A000] =	vst v63  }
0x37: {  	_ =	swait.ge [sflag:s13], $0x4000  }
0x38: {  	[sflag:s13] =	ssyncset.done $0x0  }
0x39: {  	[sflag:s13] =	ssyncadd.s32 $0xFFFFC000  }
0x3a: {  	s5 =	sadd.s32 $0x1, s5  }
0x3b: {  	p0 =	sne.s32 s5, s11  }
.Ltmp2:
0x3c: {  	[bflag:$0x0] =	sbarrier.arrive $0xFFFF;
	(pc) =	sbr.rel @p0 .LBB2_1-.Ltmp2, $4  }
0x3d: {  	[hbm:s10], [sflag:s8] =	dma.local [spmem:s12], $0x2800  }
0x3e: {  	_ =	swait.ge [sflag:s13], $0x2800  }
0x3f: {  	[sflag:s13] =	ssyncset.done $0x0  }
0x40: {  	[sflag:s13] =	ssyncadd.s32 $0xFFFFD800  }
0x41: {  	_ =	sfence.sel $0x180000  }
0x42: {  	[bflag:$0x0] =	sbarrier.arrive $0xFFFF  }
0x43: {  	p0 =	sne.s32 s2, $0x0;
	_ =	strace $0x9000004A  }
0x44: {  	s0 =	sadd.s32 @!p0 $0x100000, s0;
	[bflag:$0x2] =	sbarrier.arrive $0xFFFF  }
0x45: {  	[sflag:s0] =	ssyncadd.tile.s32 @!p0 $0x1;
	_ =	shalt  }
.Lfunc_end2:
_tile_overlayer_lowered:
.L_overlay_start_2:
0x46: {  	(tag) =	ssettag $0x2  }
0x47: {  	s0 =	rddreg [dreg:$0x0];
	s2 =	stileid.u32  }
0x48: {  	s1 =	rddreg [dreg:$0x1];
	p0 =	sne.s32 s2, $0x0  }
0x49: {  	s3 =	rddreg [dreg:$0x2];
	[bflag:$0x3] =	sbarrier.arrive $0xFFFF;
	s2 =	simm.s32 @!p0 $0x1C01  }
0x4a: {  	[timem:s3], [sflag:s2] =	dma.local @!p0 [hbm:s0], s1  }
0x4b: {  	s0 =	simm.s32 @!p0 $0x1  }
0x4c: {  	_ =	swait.ge @!p0 [sflag:s0], s1  }
0x4d: {  	s1 =	ssub.s32 @!p0 $0x0, s1;
	[sflag:s0] =	ssyncset.done @!p0 $0x0  }
0x4e: {  	[sflag:s0] =	ssyncadd.s32 @!p0 s1  }
0x4f: {  	[bflag:$0x3] =	sbarrier.arrive $0xFFFF  }
0x50: {  	_ =	shalt  }

// kernel: kernel.14.cloned.1.call-start
scs
__scs_entry_jumppad:
0x0: {  	(pc) =	sbr.rel $0x88, $3  }
0x1: {  	(tag) =	ssettag $0x0;
	lr =	simm.s32 $0x1  }
0x2: {  	[smem:$0x3F9E] =	sst lr;
	_ =	strace $0xD0000000  }
0x3: {  	_ = 	snop  }
0x4: {  	_ = 	snop  }
0x5: {  	_ = 	snop  }
0x6: {  	_ = 	snop  }
0x7: {  	_ = 	snop  }
__scs_overlays_trampoline_lowered:
0x8: {  	[smem:$0x3FAD] =	sst s0  }
0x9: {  	[smem:$0x3FAE] =	sst s1  }
0xa: {  	[smem:$0x3FAF] =	sst s2  }
0xb: {  	[smem:$0x3FB0] =	sst s3  }
0xc: {  	[smem:$0x3FB1] =	sst s4  }
0xd: {  	[smem:$0x3FB2] =	sst s5  }
0xe: {  	[smem:$0x3FB3] =	sst s6  }
0xf: {  	[smem:$0x3FB4] =	sst s7  }
0x10: {  	[smem:$0x3FB5] =	sst s8  }
0x11: {  	[smem:$0x3FB6] =	sst s9;
	s0 =	simm.s32 @!p0 $0x0  }
0x12: {  	s1 =	sld [smem:$0x3F9C];
	s0 =	simm.s32 @p0 $0x1  }
0x13: {  	[smem:$0x3FB7] =	sst s0;
	s0 =	simm.s32 @!p1 $0x0  }
0x14: {  	s2 =	sld [smem:$0x3F9B];
	s0 =	simm.s32 @p1 $0x1  }
0x15: {  	[smem:$0x3FB8] =	sst s0;
	s0 =	simm.s32 @!p2 $0x0  }
0x16: {  	s3 =	sld [smem:$0x3FDB];
	s0 =	simm.s32 @p2 $0x1  }
0x17: {  	s4 =	simm.s32 $0x1BF5;
	[smem:$0x3FBA] =	sst s0  }
0x18: {  	s0 =	sld [smem:$0x3F9D];
	_ =	swait.ge [sflag:s4], $0x0  }
0x19: {  	s7 =	sld [smem:$0x3F9E]  }
0x1a: {  	s8 =	sadd.s32 $0xFFFFE003, lr  }
0x1b: {  	s9 =	sadd.s32 $0xFFFFFEF7, lr;
	s5 =	simm.s32 $0xFFFFFFFF;
	p2 =	slt.u32 s8, $0xFFFFF086  }
0x1c: {  	p1 =	slt.u32 s9, $0xF7A;
	s5 =	simm.s32 @!p2 $0x0  }
0x1d: {  	s5 =	simm.s32 @p1 $0x1;
	p0 =	seq.s32 s7, s2  }
0x1e: {  	s7 =	smul.u32 @!p0 $0xF7A, s2;
	p2 =	seq.s32 @!p0 s5, $0x0  }
0x1f: {  	s9 =	smul.u32 $0xF7A, s1;
	s8 =	simm.s32 @!p0 $0x1BF5;
	p2 =	por !p2, p0  }
0x20: {  	[sflag:s8] =	ssyncset.s32 @!p0 $0xFFFFF086;
	s6 =	sadd.s32 @!p0 s3, s7;
	s7 =	simm.s32 @!p0 $0x108  }
0x21: {  	s3 =	sadd.s32 s3, s9;
	s6 =	sadd.s32 @!p0 $0x88, s6;
	s7 =	simm.s32 @p2 $0x1082  }
0x22: {  	[simem:s7], [sflag:s8] =	dma.local @!p0 [hbm:s6], $0xF7A  }
0x23: {  	s9 =	sor.u32 $0xD0000000, s2;
	s6 =	simm.s32 $0x108;
	_ =	swait.ge @!p0 [sflag:s8], $0x0  }
0x24: {  	s3 =	sadd.s32 $0x88, s3;
	s6 =	simm.s32 @!p1 $0x1082;
	[sflag:s4] =	ssyncset.s32 $0xFFFFF086  }
0x25: {  	[simem:s6], [sflag:s4] =	dma.local [hbm:s3], $0xF7A  }
0x26: {  	[smem:$0x3F9E] =	sst s1;
	(tag) =	ssettag s2;
	_ =	strace s9  }
0x27: {  	s1 =	sld [smem:$0x3FAE]  }
0x28: {  	s2 =	sld [smem:$0x3FAF]  }
0x29: {  	s4 =	sld [smem:$0x3FB1]  }
0x2a: {  	p0 =	seq.s32 s5, $0x0;
	s5 =	sld [smem:$0x3FB2]  }
0x2b: {  	s6 =	sld [smem:$0x3FB3]  }
0x2c: {  	s7 =	sld [smem:$0x3FB4]  }
0x2d: {  	s3 =	simm.s32 $0x108;
	s8 =	sld [smem:$0x3FB5]  }
0x2e: {  	s3 =	simm.s32 @!p0 $0x1082;
	s9 =	sld [smem:$0x3FB6]  }
0x2f: {  	lr =	sadd.s32 s0, s3;
	s0 =	sld [smem:$0x3FAD]  }
0x30: {  	s3 =	sld [smem:$0x3FB0]  }
0x31: {  	[smem:$0x3FB9] =	sst s10  }
0x32: {  	s10 =	sld [smem:$0x3FB7];
	_ =	sdelay $0x3  }
0x33: {  	p0 =	seq.s32 s10, $0x1;
	s10 =	sld [smem:$0x3FB9];
	_ =	sdelay $0x3  }
0x34: {  	[smem:$0x3FB9] =	sst s10  }
0x35: {  	s10 =	sld [smem:$0x3FB8];
	_ =	sdelay $0x3  }
0x36: {  	p1 =	seq.s32 s10, $0x1;
	s10 =	sld [smem:$0x3FB9];
	_ =	sdelay $0x3  }
0x37: {  	[smem:$0x3FB9] =	sst s10  }
0x38: {  	s10 =	sld [smem:$0x3FBA]  }
0x39: {  	_ = 	snop;
	(pc) =	sbr.ind lr, $3  }
0x3a: {  	_ = 	snop  }
0x3b: {  	_ = 	snop  }
0x3c: {  	p2 =	seq.s32 s10, $0x1;
	s10 =	sld [smem:$0x3FB9]  }
0x3d: {  	_ =	shalt  }
0x3e: {  	_ =	shalt  }
0x3f: {  	_ =	shalt  }
0x40: {  	_ =	shalt  }
0x41: {  	_ =	shalt  }
0x42: {  	_ =	shalt  }
0x43: {  	_ =	shalt  }
0x44: {  	_ =	shalt  }
0x45: {  	_ =	shalt  }
0x46: {  	_ =	shalt  }
0x47: {  	_ =	shalt  }
0x48: {  	_ =	shalt  }
0x49: {  	_ =	shalt  }
0x4a: {  	_ =	shalt  }
0x4b: {  	_ =	shalt  }
0x4c: {  	_ =	shalt  }
0x4d: {  	_ =	shalt  }
0x4e: {  	_ =	shalt  }
0x4f: {  	_ =	shalt  }
0x50: {  	_ =	shalt  }
0x51: {  	_ =	shalt  }
0x52: {  	_ =	shalt  }
0x53: {  	_ =	shalt  }
0x54: {  	_ =	shalt  }
0x55: {  	_ =	shalt  }
0x56: {  	_ =	shalt  }
0x57: {  	_ =	shalt  }
0x58: {  	_ =	shalt  }
0x59: {  	_ =	shalt  }
0x5a: {  	_ =	shalt  }
0x5b: {  	_ =	shalt  }
0x5c: {  	_ =	shalt  }
0x5d: {  	_ =	shalt  }
0x5e: {  	_ =	shalt  }
0x5f: {  	_ =	shalt  }
0x60: {  	_ =	shalt  }
0x61: {  	_ =	shalt  }
0x62: {  	_ =	shalt  }
0x63: {  	_ =	shalt  }
0x64: {  	_ =	shalt  }
0x65: {  	_ =	shalt  }
0x66: {  	_ =	shalt  }
0x67: {  	_ =	shalt  }
0x68: {  	_ =	shalt  }
0x69: {  	_ =	shalt  }
0x6a: {  	_ =	shalt  }
0x6b: {  	_ =	shalt  }
0x6c: {  	_ =	shalt  }
0x6d: {  	_ =	shalt  }
0x6e: {  	_ =	shalt  }
0x6f: {  	_ =	shalt  }
0x70: {  	_ =	shalt  }
0x71: {  	_ =	shalt  }
0x72: {  	_ =	shalt  }
0x73: {  	_ =	shalt  }
0x74: {  	_ =	shalt  }
0x75: {  	_ =	shalt  }
0x76: {  	_ =	shalt  }
0x77: {  	_ =	shalt  }
0x78: {  	_ =	shalt  }
0x79: {  	_ =	shalt  }
0x7a: {  	_ =	shalt  }
0x7b: {  	_ =	shalt  }
0x7c: {  	_ =	shalt  }
0x7d: {  	_ =	shalt  }
0x7e: {  	_ =	shalt  }
0x7f: {  	_ =	shalt  }
0x80: {  	_ =	shalt  }
0x81: {  	_ =	shalt  }
0x82: {  	_ =	shalt  }
0x83: {  	_ =	shalt  }
0x84: {  	_ =	shalt  }
0x85: {  	_ =	shalt  }
0x86: {  	_ =	shalt  }
0x87: {  	_ =	shalt  }
.Lfunc_end0:
.L_simem_size_0:
called_computation.2_lowered:
.L_overlay_start_0:
0x88: {  	s2 =	sld [smem:$0x3FD9]  }
0x89: {  	s3 =	sld [smem:$0x3FFE];
	_ =	sdelay $0x1  }
0x8a: {  	s1 =	srdreg.scid  }
0x8b: {  	s0 =	sand.u32 $0x1, s1  }
0x8c: {  	s14 =	sshll.u32 s0, $0xA;
	s2 =	sadd.s32 s3, s2  }
0x8d: {  	s2 =	sadd.s32 s2, s14  }
0x8e: {  	[smem:$0x3FC5] =	sst s2  }
0x8f: {  	_ = 	snop  }
0x90: {  	s2 =	sld [smem:$0x3FD0];
	_ =	sdelay $0x2  }
0x91: {  	s15 =	simm.s32 $0xA;
	s4 =	simm.s32 $0x10  }
0x92: {  	[smem:s4], [sflag:s15] =	dma.local [hbm:s2], $0x1  }
0x93: {  	_ =	swait.eq [sflag:s15], $0x1  }
0x94: {  	[sflag:s15] =	ssyncset.done $0x0  }
0x95: {  	s16 =	sld [smem:$0x10];
	[sflag:s15] =	ssyncadd.s32 $0xFFFFFFFF  }
0x96: {  	s17 =	sld [smem:$0x11];
	(tm) =	ssettm $0x1  }
0x97: {  	s18 =	sld [smem:$0x3FFB];
	_ =	sdelay $0x3  }
0x98: {  	_ =	strace s18  }
0x99: {  	s4 =	sld [smem:$0x3FFC];
	_ =	sdelay $0x3  }
0x9a: {  	_ =	strace s4  }
0x9b: {  	s4 =	sld [smem:$0x3FFD];
	_ =	sdelay $0x3  }
0x9c: {  	_ =	strace s4  }
0x9d: {  	_ =	strace $0x8FFFFFFF  }
0x9e: {  	s19 =	sld [smem:$0x3FDB];
	_ =	sdelay $0x1  }
0x9f: {  	s5 =	simm.s32 $_scs_section_size  }
0xa0: {  	s6 =	simm.s32 $_size__tile_overlayer_lowered;
	s7 =	simm.s32 $_tile_overlayer_lowered  }
0xa1: {  	s22 =	simm.s32 $0x1BFF;
	s21 =	sshll.u32 s7, $0x1;
	s4 =	sadd.s32 s5, s19  }
0xa2: {  	s8 =	simm.s32 $0x0;
	s20 =	sshll.u32 s6, $0x1;
	s6 =	sadd.s32 s21, s4  }
0xa3: {  	[timem:s8], [sflag:s22] =	dma.local [hbm:s6], s20  }
0xa4: {  	_ =	swait.ge [sflag:s22], s20  }
0xa5: {  	s5 =	ssub.s32 $0x0, s20;
	[sflag:s22] =	ssyncset.done $0x0  }
0xa6: {  	[sflag:s22] =	ssyncadd.s32 s5;
	_ =	sdelay $0x1  }
0xa7: {  	s23 =	simm.s32 $0x1B8B  }
0xa8: {  	_ =	swait.ge [sflag:s23], $0x1  }
0xa9: {  	[sflag:s23] =	ssyncset.done $0x0  }
0xaa: {  	s25 =	simm.s32 $0x1B8E;
	s24 =	sld [smem:$0x3FFE];
	[sflag:s23] =	ssyncadd.s32 $0xFFFFFFFF  }
0xab: {  	s26 =	simm.s32 $execute0_lowered;
	[smem:$0x3FD2] =	sst s25  }
0xac: {  	s6 =	sshll.u32 s26, $0x1;
	_ =	strace $0x8000004C;
	[dreg:$0x1] =	wrdreg $0xFFFFFFFF  }
0xad: {  	s28 =	simm.s32 $_size_execute0_lowered;
	s4 =	sadd.s32 s4, s6;
	[dreg:$0x0] =	wrdreg $0x0  }
0xae: {  	s6 =	sshll.u32 s28, $0x1;
	[dreg:$0x2] =	wrdreg s4  }
0xaf: {  	[dreg:$0x3] =	wrdreg s6  }
0xb0: {  	[dreg:$0x4] =	wrdreg $0xC0  }
0xb1: {  	_ =	task [dreg:s8], $0x5FFFF  }
0xb2: {  	[dreg:$0x1] =	wrdreg $0xFFFFFFFF  }
0xb3: {  	[dreg:$0x0] =	wrdreg $0x60  }
0xb4: {  	[dreg:$0x2] =	wrdreg s24  }
0xb5: {  	[dreg:$0x3] =	wrdreg s17  }
0xb6: {  	[dreg:$0x4] =	wrdreg s16  }
0xb7: {  	[dreg:$0x5] =	wrdreg $0x60000  }
0xb8: {  	[dreg:$0x6] =	wrdreg $0x9  }
0xb9: {  	_ =	task.clear_ibuf [dreg:s8], $0x7FFFF;
	_ =	strace $0x9000004C  }
0xba: {  	s29 =	simm.s32 $0x9;
	_ =	strace $0x8000004E  }
0xbb: {  	_ =	swait.ge [sflag:s29], $0x1  }
0xbc: {  	[sflag:s29] =	ssyncadd.s32 $0xFFFFFFFF  }
0xbd: {  	_ =	strace $0x9000004E  }
0xbe: {  	_ =	sfence  }
0xbf: {  	s30 =	sld [smem:$0x0];
	_ =	sdelay $0x2  }
0xc0: {  	s31 =	sshll.u32 s1, $0xD;
	s1 =	sshrl.u32 s1, $0x2  }
0xc1: {  	s3 =	sand.u32 $0x4000, s31;
	s1 =	sadd.s32 s1, s30  }
0xc2: {  	s0 =	sor.u32 s3, s0;
	s1 =	sshll.u32 s1, $0x11  }
0xc3: {  	s0 =	sor.u32 s1, s0  }
0xc4: {  	s0 =	sadd.s32 $0x8F2B, s0  }
0xc5: {  	[sflag:s0] =	ssyncadd.remote.s32 $0x1  }
0xc6: {  	_ =	sfence.sel $0xFFFF  }
0xc7: {  	[dreg:$0x0] =	wrdreg $0xFFFFFFFF;
	(pc) =	sbr.abs _section_cstart, $3  }
0xc8: {  	[dreg:$0x1] =	wrdreg $0xFFFFFFFF  }
0xc9: {  	_ =	task.clear_ibuf [dreg:s8], $0x2FFFF;
	_ =	strace $0x9FFFFFFF  }
0xca: {  	(tm) =	ssettm $0x7FFFFFFF  }
0xcb: {  	_ =	shalt  }
tec
execute0_lowered:
.L_overlay_start_1:
0x0: {  	(tag) =	ssettag $0x1  }
0x1: {  	s8 =	rddreg [dreg:$0x0]  }
0x2: {  	s1 =	rddreg [dreg:$0x1]  }
0x3: {  	s3 =	rddreg [dreg:$0x2]  }
0x4: {  	s4 =	rddreg [dreg:$0x3]  }
0x5: {  	s0 =	rddreg [dreg:$0x4]  }
0x6: {  	s6 =	srdreg.scid;
	s2 =	stileid.u32;
	s5 =	simm.s32 $0x0  }
0x7: {  	s15 =	simm.s32 $0x80;
	s16 =	simm.s32 $0x2000;
	s10 =	smul.u32 $0x2800, s2  }
0x8: {  	s9 =	sand.u32 $0x1, s6;
	[smem:$0x7FF] =	sst s5;
	s29 =	smul.u32 $0x50000, s2  }
0x9: {  	s6 =	sadd.s32 $0x5000, s8;
	s7 =	sadd.s32 $0x2800, s8;
	s13 =	smul.u32 $0x5000, s2  }
0xa: {  	s31 =	sshll.u32 s2, $0x6;
	s11 =	smul.u32 $0x28000, s9;
	s30 =	ssub.s32 $0x2, s9  }
0xb: {  	_ =	strace $0x8000004D;
	s9 =	smul.u32 $0x50000, s9;
	s12 =	sshrl.u32 s30, $0x1  }
0xc: {  	s10 =	sadd.s32 s10, s11;
	s11 =	sshrl.u32 s29, $0x2;
	s12 =	ssub.s32 s30, s12  }
0xd: {  	s9 =	sadd.s32 s13, s9;
	s13 =	simm.s32 $0x1;
	s10 =	sadd.s32 s10, s8  }
0xe: {  	s14 =	sadd.s32 s11, s4;
	s8 =	sor.u32 $0x1C01, s31;
	s11 =	smax.u32 s12, $0x1  }
0xf: {  	s10 =	sadd.s32 $0xF5000, s10;
	s12 =	sshrl.u32 s14, $0x3;
	s14 =	simm.s32 $0x1000  }
.LBB2_1:
0x10: {  	[spmem:s12], [sflag:s8] =	dma.local [hbm:s7], $0x2800  }
0x11: {  	_ =	swait.ge [sflag:s13], $0x2800  }
0x12: {  	[sflag:s13] =	ssyncset.done $0x0  }
0x13: {  	[sflag:s13] =	ssyncadd.s32 $0xFFFFD800  }
0x14: {  	s17 =	simm.s32 $0x0;
	[bflag:$0x0] =	sbarrier.arrive $0xFFFF  }
.LBB2_2:
0x15: {  	s18 =	sshll.u32 s17, $0xC  }
0x16: {  	s18 =	sadd.s32 s18, s9  }
0x17: {  	s18 =	sshrl.u32 s18, $0x3  }
0x18: {  	s20 =	simm.s32 $0x0;
	s19 =	sadd.s32 s1, s18  }
0x19: {  	[tilespmem:s20], [sflag:$0x1] =	stream.linear.gather [hbm4b:s19+s20], $0x1000, $0x38;
	[tilespmem:$0x1A000] =	vst v63  }
0x1a: {  	_ =	swait.ge [sflag:s13], $0x1000  }
0x1b: {  	[sflag:s13] =	ssyncset.done $0x0  }
0x1c: {  	s18 =	sadd.s32 s3, s18;
	[sflag:s13] =	ssyncadd.s32 $0xFFFFF000  }
0x1d: {  	[tilespmem:s14], [sflag:$0x1] =	stream.linear.gather [hbm4b:s18+s20], $0x1000, $0x38;
	[tilespmem:$0x1A000] =	vst v63  }
0x1e: {  	_ =	swait.ge [sflag:s13], $0x1000  }
0x1f: {  	[sflag:s13] =	ssyncset.done $0x0  }
0x20: {  	s30 =	simm.s32 $0x0;
	[sflag:s13] =	ssyncadd.s32 $0xFFFFF000  }
0x21: {  	[tilespmem:s16], [sflag:$0x1] =	stream.indirect.gather [hbm4b:s6+s15], $0x80, s30, s15, $0xb8;
	[tilespmem:$0x1A000] =	vst v63  }
0x22: {  	_ =	swait.ge [sflag:s13], $0x4000  }
0x23: {  	[sflag:s13] =	ssyncset.done $0x0  }
0x24: {  	s31 =	simm.s32 $0x1000;
	[sflag:s13] =	ssyncadd.s32 $0xFFFFC000  }
0x25: {  	[spmem:s4] =	stream.indirect.scatter.add.f32 [tilespmem:s16], [sflag:$0x1], $0x80, s31, s15, $0xb8;
	[tilespmem:$0x1A000] =	vst v63  }
0x26: {  	_ =	swait.ge [sflag:s13], $0x4000  }
0x27: {  	s19 =	simm.s32 $0x400;
	s18 =	simm.s32 $0x200;
	[sflag:s13] =	ssyncset.done $0x0  }
.LBB2_3:
0x28: {  	s20 =	sshra.s32 s18, $0x2  }
0x29: {  	[sflag:s13] =	ssyncadd.s32 $0xFFFFC000;
	s18 =	smov.u32 s19;
	s21 =	sadd.s32 $0x200, s19  }
0x2a: {  	[tilespmem:s16], [sflag:$0x1] =	stream.indirect.gather [hbm4b:s6+s15], $0x80, s20, s15, $0xb8;
	[tilespmem:$0x1A000] =	vst v63  }
0x2b: {  	p0 =	sne.s32 s19, $0x3E00;
	_ =	swait.ge [sflag:s13], $0x4000  }
.Ltmp0:
0x2c: {  	[sflag:s13] =	ssyncset.done $0x0;
	(pc) =	sbr.rel @p0 .LBB2_3-.Ltmp0, $4  }
0x2d: {  	s19 =	sadd.s32 $0x1000, s20;
	[sflag:s13] =	ssyncadd.s32 $0xFFFFC000  }
0x2e: {  	[spmem:s4] =	stream.indirect.scatter.add.f32 [tilespmem:s16], [sflag:$0x1], $0x80, s19, s15, $0xb8;
	[tilespmem:$0x1A000] =	vst v63  }
0x2f: {  	_ =	swait.ge [sflag:s13], $0x4000  }
0x30: {  	s19 =	smov.u32 s21;
	[sflag:s13] =	ssyncset.done $0x0  }
0x31: {  	s18 =	sshra.s32 s18, $0x2;
	[sflag:s13] =	ssyncadd.s32 $0xFFFFC000  }
0x32: {  	[tilespmem:s16], [sflag:$0x1] =	stream.indirect.gather [hbm4b:s6+s15], $0x80, s18, s15, $0xb8;
	[tilespmem:$0x1A000] =	vst v63  }
0x33: {  	s17 =	sadd.s32 $0x1, s17;
	_ =	swait.ge [sflag:s13], $0x4000  }
0x34: {  	p0 =	sne.s32 s17, $0x5;
	[sflag:s13] =	ssyncset.done $0x0  }
.Ltmp1:
0x35: {  	s18 =	sadd.s32 $0x1000, s18;
	[sflag:s13] =	ssyncadd.s32 $0xFFFFC000;
	(pc) =	sbr.rel @p0 .LBB2_2-.Ltmp1, $4  }
0x36: {  	[spmem:s4] =	stream.indirect.scatter.add.f32 [tilespmem:s16], [sflag:$0x1], $0x80, s18, s15, $0xb8;
	[tilespmem:$0x1A000] =	vst v63  }
0x37: {  	_ =	swait.ge [sflag:s13], $0x4000  }
0x38: {  	[sflag:s13] =	ssyncset.done $0x0  }
0x39: {  	[sflag:s13] =	ssyncadd.s32 $0xFFFFC000  }
0x3a: {  	s5 =	sadd.s32 $0x1, s5  }
0x3b: {  	p0 =	sne.s32 s5, s11  }
.Ltmp2:
0x3c: {  	[bflag:$0x0] =	sbarrier.arrive $0xFFFF;
	(pc) =	sbr.rel @p0 .LBB2_1-.Ltmp2, $4  }
0x3d: {  	[hbm:s10], [sflag:s8] =	dma.local [spmem:s12], $0x2800  }
0x3e: {  	_ =	swait.ge [sflag:s13], $0x2800  }
0x3f: {  	[sflag:s13] =	ssyncset.done $0x0  }
0x40: {  	[sflag:s13] =	ssyncadd.s32 $0xFFFFD800  }
0x41: {  	_ =	sfence.sel $0x180000  }
0x42: {  	[bflag:$0x0] =	sbarrier.arrive $0xFFFF  }
0x43: {  	p0 =	sne.s32 s2, $0x0;
	_ =	strace $0x9000004D  }
0x44: {  	s0 =	sadd.s32 @!p0 $0x100000, s0;
	[bflag:$0x2] =	sbarrier.arrive $0xFFFF  }
0x45: {  	[sflag:s0] =	ssyncadd.tile.s32 @!p0 $0x1;
	_ =	shalt  }
.Lfunc_end2:
_tile_overlayer_lowered:
.L_overlay_start_2:
0x46: {  	(tag) =	ssettag $0x2  }
0x47: {  	s0 =	rddreg [dreg:$0x0];
	s2 =	stileid.u32  }
0x48: {  	s1 =	rddreg [dreg:$0x1];
	p0 =	sne.s32 s2, $0x0  }
0x49: {  	s3 =	rddreg [dreg:$0x2];
	[bflag:$0x3] =	sbarrier.arrive $0xFFFF;
	s2 =	simm.s32 @!p0 $0x1C01  }
0x4a: {  	[timem:s3], [sflag:s2] =	dma.local @!p0 [hbm:s0], s1  }
0x4b: {  	s0 =	simm.s32 @!p0 $0x1  }
0x4c: {  	_ =	swait.ge @!p0 [sflag:s0], s1  }
0x4d: {  	s1 =	ssub.s32 @!p0 $0x0, s1;
	[sflag:s0] =	ssyncset.done @!p0 $0x0  }
0x4e: {  	[sflag:s0] =	ssyncadd.s32 @!p0 s1  }
0x4f: {  	[bflag:$0x3] =	sbarrier.arrive $0xFFFF  }
0x50: {  	_ =	shalt  }

// kernel: kernel.8.cloned.1.call-start
scs
__scs_entry_jumppad:
0x0: {  	(pc) =	sbr.rel $0x88, $3  }
0x1: {  	(tag) =	ssettag $0x0;
	lr =	simm.s32 $0x1  }
0x2: {  	[smem:$0x3F9E] =	sst lr;
	_ =	strace $0xD0000000  }
0x3: {  	_ = 	snop  }
0x4: {  	_ = 	snop  }
0x5: {  	_ = 	snop  }
0x6: {  	_ = 	snop  }
0x7: {  	_ = 	snop  }
__scs_overlays_trampoline_lowered:
0x8: {  	[smem:$0x3FAD] =	sst s0  }
0x9: {  	[smem:$0x3FAE] =	sst s1  }
0xa: {  	[smem:$0x3FAF] =	sst s2  }
0xb: {  	[smem:$0x3FB0] =	sst s3  }
0xc: {  	[smem:$0x3FB1] =	sst s4  }
0xd: {  	[smem:$0x3FB2] =	sst s5  }
0xe: {  	[smem:$0x3FB3] =	sst s6  }
0xf: {  	[smem:$0x3FB4] =	sst s7  }
0x10: {  	[smem:$0x3FB5] =	sst s8  }
0x11: {  	[smem:$0x3FB6] =	sst s9;
	s0 =	simm.s32 @!p0 $0x0  }
0x12: {  	s1 =	sld [smem:$0x3F9C];
	s0 =	simm.s32 @p0 $0x1  }
0x13: {  	[smem:$0x3FB7] =	sst s0;
	s0 =	simm.s32 @!p1 $0x0  }
0x14: {  	s2 =	sld [smem:$0x3F9B];
	s0 =	simm.s32 @p1 $0x1  }
0x15: {  	[smem:$0x3FB8] =	sst s0;
	s0 =	simm.s32 @!p2 $0x0  }
0x16: {  	s3 =	sld [smem:$0x3FDB];
	s0 =	simm.s32 @p2 $0x1  }
0x17: {  	s4 =	simm.s32 $0x1BF5;
	[smem:$0x3FBA] =	sst s0  }
0x18: {  	s0 =	sld [smem:$0x3F9D];
	_ =	swait.ge [sflag:s4], $0x0  }
0x19: {  	s7 =	sld [smem:$0x3F9E]  }
0x1a: {  	s8 =	sadd.s32 $0xFFFFE003, lr  }
0x1b: {  	s9 =	sadd.s32 $0xFFFFFEF7, lr;
	s5 =	simm.s32 $0xFFFFFFFF;
	p2 =	slt.u32 s8, $0xFFFFF086  }
0x1c: {  	p1 =	slt.u32 s9, $0xF7A;
	s5 =	simm.s32 @!p2 $0x0  }
0x1d: {  	s5 =	simm.s32 @p1 $0x1;
	p0 =	seq.s32 s7, s2  }
0x1e: {  	s7 =	smul.u32 @!p0 $0xF7A, s2;
	p2 =	seq.s32 @!p0 s5, $0x0  }
0x1f: {  	s9 =	smul.u32 $0xF7A, s1;
	s8 =	simm.s32 @!p0 $0x1BF5;
	p2 =	por !p2, p0  }
0x20: {  	[sflag:s8] =	ssyncset.s32 @!p0 $0xFFFFF086;
	s6 =	sadd.s32 @!p0 s3, s7;
	s7 =	simm.s32 @!p0 $0x108  }
0x21: {  	s3 =	sadd.s32 s3, s9;
	s6 =	sadd.s32 @!p0 $0x88, s6;
	s7 =	simm.s32 @p2 $0x1082  }
0x22: {  	[simem:s7], [sflag:s8] =	dma.local @!p0 [hbm:s6], $0xF7A  }
0x23: {  	s9 =	sor.u32 $0xD0000000, s2;
	s6 =	simm.s32 $0x108;
	_ =	swait.ge @!p0 [sflag:s8], $0x0  }
0x24: {  	s3 =	sadd.s32 $0x88, s3;
	s6 =	simm.s32 @!p1 $0x1082;
	[sflag:s4] =	ssyncset.s32 $0xFFFFF086  }
0x25: {  	[simem:s6], [sflag:s4] =	dma.local [hbm:s3], $0xF7A  }
0x26: {  	[smem:$0x3F9E] =	sst s1;
	(tag) =	ssettag s2;
	_ =	strace s9  }
0x27: {  	s1 =	sld [smem:$0x3FAE]  }
0x28: {  	s2 =	sld [smem:$0x3FAF]  }
0x29: {  	s4 =	sld [smem:$0x3FB1]  }
0x2a: {  	p0 =	seq.s32 s5, $0x0;
	s5 =	sld [smem:$0x3FB2]  }
0x2b: {  	s6 =	sld [smem:$0x3FB3]  }
0x2c: {  	s7 =	sld [smem:$0x3FB4]  }
0x2d: {  	s3 =	simm.s32 $0x108;
	s8 =	sld [smem:$0x3FB5]  }
0x2e: {  	s3 =	simm.s32 @!p0 $0x1082;
	s9 =	sld [smem:$0x3FB6]  }
0x2f: {  	lr =	sadd.s32 s0, s3;
	s0 =	sld [smem:$0x3FAD]  }
0x30: {  	s3 =	sld [smem:$0x3FB0]  }
0x31: {  	[smem:$0x3FB9] =	sst s10  }
0x32: {  	s10 =	sld [smem:$0x3FB7];
	_ =	sdelay $0x3  }
0x33: {  	p0 =	seq.s32 s10, $0x1;
	s10 =	sld [smem:$0x3FB9];
	_ =	sdelay $0x3  }
0x34: {  	[smem:$0x3FB9] =	sst s10  }
0x35: {  	s10 =	sld [smem:$0x3FB8];
	_ =	sdelay $0x3  }
0x36: {  	p1 =	seq.s32 s10, $0x1;
	s10 =	sld [smem:$0x3FB9];
	_ =	sdelay $0x3  }
0x37: {  	[smem:$0x3FB9] =	sst s10  }
0x38: {  	s10 =	sld [smem:$0x3FBA]  }
0x39: {  	_ = 	snop;
	(pc) =	sbr.ind lr, $3  }
0x3a: {  	_ = 	snop  }
0x3b: {  	_ = 	snop  }
0x3c: {  	p2 =	seq.s32 s10, $0x1;
	s10 =	sld [smem:$0x3FB9]  }
0x3d: {  	_ =	shalt  }
0x3e: {  	_ =	shalt  }
0x3f: {  	_ =	shalt  }
0x40: {  	_ =	shalt  }
0x41: {  	_ =	shalt  }
0x42: {  	_ =	shalt  }
0x43: {  	_ =	shalt  }
0x44: {  	_ =	shalt  }
0x45: {  	_ =	shalt  }
0x46: {  	_ =	shalt  }
0x47: {  	_ =	shalt  }
0x48: {  	_ =	shalt  }
0x49: {  	_ =	shalt  }
0x4a: {  	_ =	shalt  }
0x4b: {  	_ =	shalt  }
0x4c: {  	_ =	shalt  }
0x4d: {  	_ =	shalt  }
0x4e: {  	_ =	shalt  }
0x4f: {  	_ =	shalt  }
0x50: {  	_ =	shalt  }
0x51: {  	_ =	shalt  }
0x52: {  	_ =	shalt  }
0x53: {  	_ =	shalt  }
0x54: {  	_ =	shalt  }
0x55: {  	_ =	shalt  }
0x56: {  	_ =	shalt  }
0x57: {  	_ =	shalt  }
0x58: {  	_ =	shalt  }
0x59: {  	_ =	shalt  }
0x5a: {  	_ =	shalt  }
0x5b: {  	_ =	shalt  }
0x5c: {  	_ =	shalt  }
0x5d: {  	_ =	shalt  }
0x5e: {  	_ =	shalt  }
0x5f: {  	_ =	shalt  }
0x60: {  	_ =	shalt  }
0x61: {  	_ =	shalt  }
0x62: {  	_ =	shalt  }
0x63: {  	_ =	shalt  }
0x64: {  	_ =	shalt  }
0x65: {  	_ =	shalt  }
0x66: {  	_ =	shalt  }
0x67: {  	_ =	shalt  }
0x68: {  	_ =	shalt  }
0x69: {  	_ =	shalt  }
0x6a: {  	_ =	shalt  }
0x6b: {  	_ =	shalt  }
0x6c: {  	_ =	shalt  }
0x6d: {  	_ =	shalt  }
0x6e: {  	_ =	shalt  }
0x6f: {  	_ =	shalt  }
0x70: {  	_ =	shalt  }
0x71: {  	_ =	shalt  }
0x72: {  	_ =	shalt  }
0x73: {  	_ =	shalt  }
0x74: {  	_ =	shalt  }
0x75: {  	_ =	shalt  }
0x76: {  	_ =	shalt  }
0x77: {  	_ =	shalt  }
0x78: {  	_ =	shalt  }
0x79: {  	_ =	shalt  }
0x7a: {  	_ =	shalt  }
0x7b: {  	_ =	shalt  }
0x7c: {  	_ =	shalt  }
0x7d: {  	_ =	shalt  }
0x7e: {  	_ =	shalt  }
0x7f: {  	_ =	shalt  }
0x80: {  	_ =	shalt  }
0x81: {  	_ =	shalt  }
0x82: {  	_ =	shalt  }
0x83: {  	_ =	shalt  }
0x84: {  	_ =	shalt  }
0x85: {  	_ =	shalt  }
0x86: {  	_ =	shalt  }
0x87: {  	_ =	shalt  }
.Lfunc_end0:
.L_simem_size_0:
called_computation_lowered:
.L_overlay_start_0:
0x88: {  	s2 =	sld [smem:$0x3FD9]  }
0x89: {  	s3 =	sld [smem:$0x3FFE];
	_ =	sdelay $0x1  }
0x8a: {  	s1 =	srdreg.scid  }
0x8b: {  	s0 =	sand.u32 $0x1, s1  }
0x8c: {  	s14 =	sshll.u32 s0, $0xA;
	s2 =	sadd.s32 s3, s2  }
0x8d: {  	s2 =	sadd.s32 s2, s14  }
0x8e: {  	[smem:$0x3FC5] =	sst s2  }
0x8f: {  	_ = 	snop  }
0x90: {  	s2 =	sld [smem:$0x3FD0];
	_ =	sdelay $0x2  }
0x91: {  	s15 =	simm.s32 $0xA;
	s4 =	simm.s32 $0x10  }
0x92: {  	[smem:s4], [sflag:s15] =	dma.local [hbm:s2], $0x1  }
0x93: {  	_ =	swait.eq [sflag:s15], $0x1  }
0x94: {  	[sflag:s15] =	ssyncset.done $0x0  }
0x95: {  	[sflag:s15] =	ssyncadd.s32 $0xFFFFFFFF  }
0x96: {  	s16 =	sld [smem:$0x10];
	(tm) =	ssettm $0x1  }
0x97: {  	s17 =	sld [smem:$0x3FFB];
	_ =	sdelay $0x3  }
0x98: {  	_ =	strace s17  }
0x99: {  	s3 =	sld [smem:$0x3FFC];
	_ =	sdelay $0x3  }
0x9a: {  	_ =	strace s3  }
0x9b: {  	s3 =	sld [smem:$0x3FFD];
	_ =	sdelay $0x3  }
0x9c: {  	_ =	strace s3  }
0x9d: {  	_ =	strace $0x8FFFFFFF  }
0x9e: {  	s18 =	sld [smem:$0x3FDB];
	_ =	sdelay $0x1  }
0x9f: {  	s19 =	simm.s32 $_scs_section_size  }
0xa0: {  	s5 =	simm.s32 $_size__tile_overlayer_lowered;
	s6 =	simm.s32 $_tile_overlayer_lowered  }
0xa1: {  	s22 =	simm.s32 $0x1BFF;
	s21 =	sshll.u32 s6, $0x1;
	s3 =	sadd.s32 s19, s18  }
0xa2: {  	s7 =	simm.s32 $0x0;
	s20 =	sshll.u32 s5, $0x1;
	s5 =	sadd.s32 s21, s3  }
0xa3: {  	[timem:s7], [sflag:s22] =	dma.local [hbm:s5], s20  }
0xa4: {  	_ =	swait.ge [sflag:s22], s20  }
0xa5: {  	s4 =	ssub.s32 $0x0, s20;
	[sflag:s22] =	ssyncset.done $0x0  }
0xa6: {  	[sflag:s22] =	ssyncadd.s32 s4;
	_ =	sdelay $0x1  }
0xa7: {  	s23 =	simm.s32 $0x1B8B  }
0xa8: {  	_ =	swait.ge [sflag:s23], $0x1  }
0xa9: {  	[sflag:s23] =	ssyncset.done $0x0  }
0xaa: {  	s25 =	simm.s32 $0x1B8E;
	s24 =	sld [smem:$0x3FFE];
	[sflag:s23] =	ssyncadd.s32 $0xFFFFFFFF  }
0xab: {  	s26 =	simm.s32 $execute0_lowered;
	[smem:$0x3FD2] =	sst s25  }
0xac: {  	s5 =	sshll.u32 s26, $0x1;
	_ =	strace $0x80000046;
	[dreg:$0x1] =	wrdreg $0xFFFFFFFF  }
0xad: {  	s28 =	simm.s32 $_size_execute0_lowered;
	s3 =	sadd.s32 s3, s5;
	[dreg:$0x0] =	wrdreg $0x0  }
0xae: {  	s5 =	sshll.u32 s28, $0x1;
	[dreg:$0x2] =	wrdreg s3  }
0xaf: {  	[dreg:$0x3] =	wrdreg s5  }
0xb0: {  	[dreg:$0x4] =	wrdreg $0xC0  }
0xb1: {  	_ =	task [dreg:s7], $0x5FFFF  }
0xb2: {  	[dreg:$0x1] =	wrdreg $0xFFFFFFFF  }
0xb3: {  	[dreg:$0x0] =	wrdreg $0x60  }
0xb4: {  	[dreg:$0x2] =	wrdreg s16  }
0xb5: {  	[dreg:$0x3] =	wrdreg s24  }
0xb6: {  	[dreg:$0x4] =	wrdreg $0x50000  }
0xb7: {  	[dreg:$0x5] =	wrdreg $0x9  }
0xb8: {  	_ =	task.clear_ibuf [dreg:s7], $0x6FFFF;
	_ =	strace $0x90000046  }
0xb9: {  	s29 =	simm.s32 $0x9;
	_ =	strace $0x80000048  }
0xba: {  	_ =	swait.ge [sflag:s29], $0x1  }
0xbb: {  	[sflag:s29] =	ssyncadd.s32 $0xFFFFFFFF  }
0xbc: {  	_ =	strace $0x90000048  }
0xbd: {  	_ =	sfence  }
0xbe: {  	s30 =	sld [smem:$0x0];
	_ =	sdelay $0x2  }
0xbf: {  	s31 =	sshll.u32 s1, $0xD;
	s1 =	sshrl.u32 s1, $0x2  }
0xc0: {  	s3 =	sand.u32 $0x4000, s31;
	s1 =	sadd.s32 s1, s30  }
0xc1: {  	s0 =	sor.u32 s3, s0;
	s1 =	sshll.u32 s1, $0x11  }
0xc2: {  	s0 =	sor.u32 s1, s0  }
0xc3: {  	s0 =	sadd.s32 $0x8F2B, s0  }
0xc4: {  	[sflag:s0] =	ssyncadd.remote.s32 $0x1  }
0xc5: {  	_ =	sfence.sel $0xFFFF  }
0xc6: {  	[dreg:$0x0] =	wrdreg $0xFFFFFFFF;
	(pc) =	sbr.abs _section_cstart, $3  }
0xc7: {  	[dreg:$0x1] =	wrdreg $0xFFFFFFFF  }
0xc8: {  	_ =	task.clear_ibuf [dreg:s7], $0x2FFFF;
	_ =	strace $0x9FFFFFFF  }
0xc9: {  	(tm) =	ssettm $0x7FFFFFFF  }
tec
execute0_lowered:
.L_overlay_start_1:
0x0: {  	(tag) =	ssettag $0x1  }
0x1: {  	s9 =	rddreg [dreg:$0x0]  }
0x2: {  	s6 =	rddreg [dreg:$0x1]  }
0x3: {  	s2 =	rddreg [dreg:$0x2]  }
0x4: {  	s0 =	rddreg [dreg:$0x3]  }
0x5: {  	s4 =	srdreg.scid;
	s1 =	stileid.u32;
	s3 =	simm.s32 $0x0  }
0x6: {  	s15 =	simm.s32 $0x1;
	s16 =	simm.s32 $0x1000;
	s7 =	smul.u32 $0x2800, s1  }
0x7: {  	s17 =	simm.s32 $0x80;
	s18 =	simm.s32 $0x0;
	s10 =	smul.u32 $0x50000, s1  }
0x8: {  	s5 =	sand.u32 $0x1, s4;
	[smem:$0x7FF] =	sst s3;
	s13 =	smul.u32 $0x5000, s1  }
0x9: {  	s4 =	sadd.s32 $0x2000, s6;
	s29 =	sshll.u32 s1, $0x6;
	s8 =	smul.u32 $0x28000, s5  }
0xa: {  	_ =	strace $0x80000047;
	s11 =	ssub.s32 $0x2, s5;
	s12 =	smul.u32 $0x50000, s5  }
0xb: {  	s5 =	sadd.s32 $0x2800, s6;
	s26 =	sshrl.u32 s11, $0x1;
	s28 =	sshrl.u32 s10, $0x2  }
0xc: {  	s7 =	sadd.s32 s7, s8;
	s8 =	ssub.s32 s11, s26;
	s30 =	sadd.s32 s13, s12  }
0xd: {  	s14 =	sadd.s32 s28, s2;
	s7 =	sadd.s32 s7, s6;
	s31 =	sshrl.u32 s30, $0x3  }
0xe: {  	s6 =	sor.u32 $0x1C01, s29;
	s8 =	smax.u32 s8, $0x1;
	s9 =	sadd.s32 s9, s31  }
0xf: {  	s14 =	sshrl.u32 s14, $0x3;
	s7 =	sadd.s32 $0x5000, s7;
	s10 =	sadd.s32 $0x200, s9  }
0x10: {  	s11 =	sadd.s32 $0x400, s9;
	s12 =	sadd.s32 $0x600, s9;
	s13 =	sadd.s32 $0x800, s9  }
.LBB2_1:
0x11: {  	[spmem:s14], [sflag:s6] =	dma.local [hbm:s5], $0x2800  }
0x12: {  	_ =	swait.ge [sflag:s15], $0x2800  }
0x13: {  	[sflag:s15] =	ssyncset.done $0x0  }
0x14: {  	[sflag:s15] =	ssyncadd.s32 $0xFFFFD800  }
0x15: {  	[tilespmem:s16], [sflag:$0x1] =	stream.linear.gather [hbm4b:s4+s3], $0x4000, $0x38;
	[tilespmem:$0x19000] =	vst v63  }
0x16: {  	_ =	swait.ge [sflag:s15], $0x4000  }
0x17: {  	[sflag:s15] =	ssyncset.done $0x0  }
0x18: {  	[sflag:s15] =	ssyncadd.s32 $0xFFFFC000  }
0x19: {  	[bflag:$0x0] =	sbarrier.arrive $0xFFFF  }
0x1a: {  	[tilespmem:s3], [sflag:$0x1] =	stream.linear.gather [hbm4b:s9+s3], $0x1000, $0x38;
	[tilespmem:$0x19000] =	vst v63  }
0x1b: {  	_ =	swait.ge [sflag:s15], $0x1000  }
0x1c: {  	[sflag:s15] =	ssyncset.done $0x0  }
0x1d: {  	s19 =	simm.s32 $0x0;
	[sflag:s15] =	ssyncadd.s32 $0xFFFFF000  }
0x1e: {  	[spmem:s2] =	stream.indirect.scatter.add.f32 [tilespmem:s16], [sflag:$0x1], $0x80, s19, s17, $0xb8;
	[tilespmem:$0x19000] =	vst v63  }
0x1f: {  	_ =	swait.ge [sflag:s15], $0x4000  }
0x20: {  	s19 =	simm.s32 $0x200;
	[sflag:s15] =	ssyncset.done $0x0  }
.LBB2_2:
0x21: {  	s20 =	sshra.s32 s19, $0x2;
	[sflag:s15] =	ssyncadd.s32 $0xFFFFC000;
	p0 =	sne.s32 s19, $0x3E00  }
0x22: {  	[spmem:s2] =	stream.indirect.scatter.add.f32 [tilespmem:s16], [sflag:$0x1], $0x80, s20, s17, $0xb8;
	[tilespmem:$0x19000] =	vst v63  }
.Ltmp0:
0x23: {  	_ = 	snop;
	(pc) =	sbr.rel @p0 .LBB2_2-.Ltmp0, $4  }
0x24: {  	_ = 	snop  }
0x25: {  	s19 =	sadd.s32 $0x200, s19  }
0x26: {  	_ =	swait.ge [sflag:s15], $0x4000  }
0x27: {  	[sflag:s15] =	ssyncset.done $0x0  }
0x28: {  	[sflag:s15] =	ssyncadd.s32 $0xFFFFC000;
	s19 =	simm.s32 $0x0  }
0x29: {  	[tilespmem:s19], [sflag:$0x1] =	stream.linear.gather [hbm4b:s10+s19], $0x1000, $0x38;
	[tilespmem:$0x19000] =	vst v63  }
0x2a: {  	_ =	swait.ge [sflag:s15], $0x1000  }
0x2b: {  	[sflag:s15] =	ssyncset.done $0x0  }
0x2c: {  	s31 =	simm.s32 $0x0;
	[sflag:s15] =	ssyncadd.s32 $0xFFFFF000  }
0x2d: {  	[spmem:s2] =	stream.indirect.scatter.add.f32 [tilespmem:s16], [sflag:$0x1], $0x80, s31, s17, $0xb8;
	[tilespmem:$0x19000] =	vst v63  }
0x2e: {  	_ =	swait.ge [sflag:s15], $0x4000  }
0x2f: {  	s19 =	simm.s32 $0x200;
	[sflag:s15] =	ssyncset.done $0x0  }
.LBB2_4:
0x30: {  	s20 =	sshra.s32 s19, $0x2;
	[sflag:s15] =	ssyncadd.s32 $0xFFFFC000;
	p0 =	sne.s32 s19, $0x3E00  }
0x31: {  	[spmem:s2] =	stream.indirect.scatter.add.f32 [tilespmem:s16], [sflag:$0x1], $0x80, s20, s17, $0xb8;
	[tilespmem:$0x19000] =	vst v63  }
.Ltmp1:
0x32: {  	_ = 	snop;
	(pc) =	sbr.rel @p0 .LBB2_4-.Ltmp1, $4  }
0x33: {  	_ = 	snop  }
0x34: {  	s19 =	sadd.s32 $0x200, s19  }
0x35: {  	_ =	swait.ge [sflag:s15], $0x4000  }
0x36: {  	[sflag:s15] =	ssyncset.done $0x0  }
0x37: {  	[sflag:s15] =	ssyncadd.s32 $0xFFFFC000;
	s19 =	simm.s32 $0x0  }
0x38: {  	[tilespmem:s19], [sflag:$0x1] =	stream.linear.gather [hbm4b:s11+s19], $0x1000, $0x38;
	[tilespmem:$0x19000] =	vst v63  }
0x39: {  	_ =	swait.ge [sflag:s15], $0x1000  }
0x3a: {  	[sflag:s15] =	ssyncset.done $0x0  }
0x3b: {  	s31 =	simm.s32 $0x0;
	[sflag:s15] =	ssyncadd.s32 $0xFFFFF000  }
0x3c: {  	[spmem:s2] =	stream.indirect.scatter.add.f32 [tilespmem:s16], [sflag:$0x1], $0x80, s31, s17, $0xb8;
	[tilespmem:$0x19000] =	vst v63  }
0x3d: {  	_ =	swait.ge [sflag:s15], $0x4000  }
0x3e: {  	s19 =	simm.s32 $0x200;
	[sflag:s15] =	ssyncset.done $0x0  }
.LBB2_6:
0x3f: {  	s20 =	sshra.s32 s19, $0x2;
	[sflag:s15] =	ssyncadd.s32 $0xFFFFC000;
	p0 =	sne.s32 s19, $0x3E00  }
0x40: {  	[spmem:s2] =	stream.indirect.scatter.add.f32 [tilespmem:s16], [sflag:$0x1], $0x80, s20, s17, $0xb8;
	[tilespmem:$0x19000] =	vst v63  }
.Ltmp2:
0x41: {  	_ = 	snop;
	(pc) =	sbr.rel @p0 .LBB2_6-.Ltmp2, $4  }
0x42: {  	_ = 	snop  }
0x43: {  	s19 =	sadd.s32 $0x200, s19  }
0x44: {  	_ =	swait.ge [sflag:s15], $0x4000  }
0x45: {  	[sflag:s15] =	ssyncset.done $0x0  }
0x46: {  	[sflag:s15] =	ssyncadd.s32 $0xFFFFC000;
	s19 =	simm.s32 $0x0  }
0x47: {  	[tilespmem:s19], [sflag:$0x1] =	stream.linear.gather [hbm4b:s12+s19], $0x1000, $0x38;
	[tilespmem:$0x19000] =	vst v63  }
0x48: {  	_ =	swait.ge [sflag:s15], $0x1000  }
0x49: {  	[sflag:s15] =	ssyncset.done $0x0  }
0x4a: {  	s31 =	simm.s32 $0x0;
	[sflag:s15] =	ssyncadd.s32 $0xFFFFF000  }
0x4b: {  	[spmem:s2] =	stream.indirect.scatter.add.f32 [tilespmem:s16], [sflag:$0x1], $0x80, s31, s17, $0xb8;
	[tilespmem:$0x19000] =	vst v63  }
0x4c: {  	_ =	swait.ge [sflag:s15], $0x4000  }
0x4d: {  	s19 =	simm.s32 $0x200;
	[sflag:s15] =	ssyncset.done $0x0  }
.LBB2_8:
0x4e: {  	s20 =	sshra.s32 s19, $0x2;
	[sflag:s15] =	ssyncadd.s32 $0xFFFFC000;
	p0 =	sne.s32 s19, $0x3E00  }
0x4f: {  	[spmem:s2] =	stream.indirect.scatter.add.f32 [tilespmem:s16], [sflag:$0x1], $0x80, s20, s17, $0xb8;
	[tilespmem:$0x19000] =	vst v63  }
.Ltmp3:
0x50: {  	_ = 	snop;
	(pc) =	sbr.rel @p0 .LBB2_8-.Ltmp3, $4  }
0x51: {  	_ = 	snop  }
0x52: {  	s19 =	sadd.s32 $0x200, s19  }
0x53: {  	_ =	swait.ge [sflag:s15], $0x4000  }
0x54: {  	[sflag:s15] =	ssyncset.done $0x0  }
0x55: {  	[sflag:s15] =	ssyncadd.s32 $0xFFFFC000;
	s19 =	simm.s32 $0x0  }
0x56: {  	[tilespmem:s19], [sflag:$0x1] =	stream.linear.gather [hbm4b:s13+s19], $0x1000, $0x38;
	[tilespmem:$0x19000] =	vst v63  }
0x57: {  	_ =	swait.ge [sflag:s15], $0x1000  }
0x58: {  	[sflag:s15] =	ssyncset.done $0x0  }
0x59: {  	s31 =	simm.s32 $0x0;
	[sflag:s15] =	ssyncadd.s32 $0xFFFFF000  }
0x5a: {  	[spmem:s2] =	stream.indirect.scatter.add.f32 [tilespmem:s16], [sflag:$0x1], $0x80, s31, s17, $0xb8;
	[tilespmem:$0x19000] =	vst v63  }
0x5b: {  	_ =	swait.ge [sflag:s15], $0x4000  }
0x5c: {  	s19 =	simm.s32 $0x200;
	[sflag:s15] =	ssyncset.done $0x0  }
.LBB2_10:
0x5d: {  	s20 =	sshra.s32 s19, $0x2;
	[sflag:s15] =	ssyncadd.s32 $0xFFFFC000;
	p0 =	sne.s32 s19, $0x3E00  }
0x5e: {  	[spmem:s2] =	stream.indirect.scatter.add.f32 [tilespmem:s16], [sflag:$0x1], $0x80, s20, s17, $0xb8;
	[tilespmem:$0x19000] =	vst v63  }
.Ltmp4:
0x5f: {  	_ = 	snop;
	(pc) =	sbr.rel @p0 .LBB2_10-.Ltmp4, $4  }
0x60: {  	_ = 	snop  }
0x61: {  	s19 =	sadd.s32 $0x200, s19  }
0x62: {  	_ =	swait.ge [sflag:s15], $0x4000  }
0x63: {  	[sflag:s15] =	ssyncset.done $0x0  }
0x64: {  	s18 =	sadd.s32 $0x1, s18  }
0x65: {  	[sflag:s15] =	ssyncadd.s32 $0xFFFFC000;
	p0 =	sne.s32 s18, s8  }
.Ltmp5:
0x66: {  	[bflag:$0x0] =	sbarrier.arrive $0xFFFF;
	(pc) =	sbr.rel @p0 .LBB2_1-.Ltmp5, $4  }
0x67: {  	[hbm:s7], [sflag:s6] =	dma.local [spmem:s14], $0x2800  }
0x68: {  	_ =	swait.ge [sflag:s15], $0x2800  }
0x69: {  	[sflag:s15] =	ssyncset.done $0x0  }
0x6a: {  	[sflag:s15] =	ssyncadd.s32 $0xFFFFD800  }
0x6b: {  	_ =	sfence.sel $0x180000  }
0x6c: {  	[bflag:$0x0] =	sbarrier.arrive $0xFFFF  }
0x6d: {  	p0 =	sne.s32 s1, $0x0;
	_ =	strace $0x90000047  }
0x6e: {  	s0 =	sadd.s32 @!p0 $0x100000, s0;
	[bflag:$0x2] =	sbarrier.arrive $0xFFFF  }
0x6f: {  	[sflag:s0] =	ssyncadd.tile.s32 @!p0 $0x1;
	_ =	shalt  }
.Lfunc_end2:
_tile_overlayer_lowered:
.L_overlay_start_2:
0x70: {  	(tag) =	ssettag $0x2  }
0x71: {  	s0 =	rddreg [dreg:$0x0];
	s2 =	stileid.u32  }
0x72: {  	s1 =	rddreg [dreg:$0x1];
	p0 =	sne.s32 s2, $0x0  }
0x73: {  	s3 =	rddreg [dreg:$0x2];
	[bflag:$0x3] =	sbarrier.arrive $0xFFFF;
	s2 =	simm.s32 @!p0 $0x1C01  }
0x74: {  	[timem:s3], [sflag:s2] =	dma.local @!p0 [hbm:s0], s1  }
0x75: {  	s0 =	simm.s32 @!p0 $0x1  }
0x76: {  	_ =	swait.ge @!p0 [sflag:s0], s1  }
0x77: {  	s1 =	ssub.s32 @!p0 $0x0, s1;
	[sflag:s0] =	ssyncset.done @!p0 $0x0  }
0x78: {  	[sflag:s0] =	ssyncadd.s32 @!p0 s1  }
0x79: {  	[bflag:$0x3] =	sbarrier.arrive $0xFFFF  }
0x7a: {  	_ =	shalt  }

</sc_bundles>
